<compile_context>
chip_gen: v7x
topology: tpu7x:2x2x1
jax: 0.10.2.dev20260603
libtpu: 0.0.44.dev20260713+nightly
codegen_flags: <defaults>
</compile_context>

<pallas_src>
import functools

import jax
import jax.numpy as jnp
from jax import lax
from jax.experimental import pallas as pl
from jax.experimental.pallas import tpu as pltpu
from jax.experimental.pallas import tpu_sc as plsc

_VOCAB = 100000
_ROWS = 128
_STRIDE = 1000
_NUM_ALLOWED = 64
_CHUNK = 10000
_NCHUNK = _VOCAB // _CHUNK
_NEG_INF = float("-inf")


def _sc_gather(scores_t):
    mesh = plsc.VectorSubcoreMesh(core_axis_name="c", subcore_axis_name="s")

    @functools.partial(
        pl.kernel,
        out_type=jax.ShapeDtypeStruct((_NUM_ALLOWED * _ROWS,), jnp.float32),
        mesh=mesh,
        scratch_types=[pltpu.VMEM((_ROWS,), jnp.float32)],
        compiler_params=pltpu.CompilerParams(needs_layout_passes=False),
    )
    def k(s_hbm, o_hbm, row_v):
        wid = lax.axis_index("c") * 16 + lax.axis_index("s")
        for t in range(2):
            c = wid * 2 + t
            src_row = pl.multiple_of(c * _STRIDE, 8)
            dst_off = pl.multiple_of(c * _ROWS, 8)
            pltpu.sync_copy(s_hbm.at[src_row], row_v)
            pltpu.sync_copy(row_v, o_hbm.at[pl.ds(dst_off, _ROWS)])

    return k(scores_t)


def _tc_body(g_ref, o_ref, const_ref, fill_sems, ins_sem):
    const_ref[...] = jnp.full(const_ref.shape, _NEG_INF, jnp.float32)

    fills = []
    for b in range(_NCHUNK):
        cp = pltpu.make_async_copy(
            const_ref, o_ref.at[pl.ds(b * _CHUNK, _CHUNK), :], fill_sems.at[b]
        )
        cp.start()
        fills.append(cp)

    inserts = []
    for b in range(_NCHUNK):
        fills[b].wait()
        lo = -(-b * _CHUNK // _STRIDE)
        hi = min(_NUM_ALLOWED, ((b + 1) * _CHUNK - 1) // _STRIDE + 1)
        for c in range(lo, hi):
            cp = pltpu.make_async_copy(
                g_ref.at[pl.ds(c * _ROWS, _ROWS)],
                o_ref.at[c * _STRIDE],
                ins_sem,
            )
            cp.start()
            inserts.append(cp)

    for cp in inserts:
        cp.wait()


def kernel(input_ids, scores):
    del input_ids
    scores_t = scores.T
    gathered = _sc_gather(scores_t)
    out_t = pl.pallas_call(
        _tc_body,
        grid=(1,),
        in_specs=[pl.BlockSpec(memory_space=pl.ANY)],
        out_specs=pl.BlockSpec(memory_space=pl.ANY),
        out_shape=jax.ShapeDtypeStruct((_VOCAB, _ROWS), jnp.float32),
        scratch_shapes=[
            pltpu.VMEM((_CHUNK, _ROWS), jnp.float32),
            pltpu.SemaphoreType.DMA((_NCHUNK,)),
            pltpu.SemaphoreType.DMA,
        ],
    )(gathered)
    return out_t.T

# --- scband reference (transcript-rebuilt; emitter-appended) ---
"""Pipeline reference for scband-restrict-tokens-processor-24515673325926 (READ-ONLY COPY).

The authoritative reference and input builder live on the scoring server;
editing this copy changes nothing except your own understanding.
"""

import jax, jax.numpy as jnp
import numpy as np

ALLOWED_TOKEN_IDS = [i * 1000 for i in range(64)]


def setup_inputs(seed: int = 0) -> dict:
    key = jax.random.key(seed)
    k1, k2 = jax.random.split(key)
    input_ids = jax.random.randint(k1, (128, 32), 0, 100000, dtype=jnp.int64 if jax.config.jax_enable_x64 else jnp.int32)
    scores = jax.random.normal(k2, (128, 100000), dtype=jnp.float32)
    return {"input_ids": input_ids, "scores": scores}


def reference(input_ids, scores):
    allowed = jnp.asarray(ALLOWED_TOKEN_IDS, dtype=jnp.int32)
    mask = jnp.full_like(scores, -jnp.inf)
    # gather the allowed columns from scores, scatter-overwrite into the -inf mask
    gathered = jnp.take(scores, allowed, axis=1)
    mask = mask.at[:, allowed].set(gathered)
    return mask

if __name__ == "__main__":
    import jax
    _d = setup_inputs()
    print(jax.jit(kernel)(*tuple(_d.values())))

</pallas_src>

<mosaic_0001>
#map = affine_map<(d0, d1) -> (0, 0)>
#map1 = affine_map<(d0, d1) -> (0)>
module attributes {stable_mosaic.version = 14 : i64} {
  func.func @k(%arg0: i32, %arg1: i32, %arg2: memref<100000x128xf32, #tpu.memory_space<hbm>>, %arg3: memref<8192xf32, #tpu.memory_space<hbm>>, %arg4: memref<128xf32, #tpu.memory_space<vmem>>) attributes {dimension_semantics = [#tpu.dimension_semantics<core_parallel>, #tpu.dimension_semantics<subcore_parallel>], iteration_bounds = array<i64: 2, 16>, scalar_prefetch = 0 : i64, scratch_operands = 1 : i64, tpu.core_type = #tpu.core_type<sc_vector_subcore>, window_params = [{transform_indices = #map}, {transform_indices = #map1}]} {
    %mul3A = arith.constant 16 : i32
    %mul3A_0 = arith.muli %arg0, %mul3A : i32
    %add3A = arith.addi %mul3A_0, %arg1 : i32
    %mul3A_1 = arith.constant 2 : i32
    %mul3A_2 = arith.muli %add3A, %mul3A_1 : i32
    %add3A_3 = arith.constant 0 : i32
    %add3A_4 = arith.addi %mul3A_2, %add3A_3 : i32
    %mul3A_5 = arith.constant 1000 : i32
    %mul3A_6 = arith.muli %add3A_4, %mul3A_5 : i32
    %multiple_of3A = tpu.assume_multiple %mul3A_6, 8 : i32
    %mul3A_7 = arith.constant 128 : i32
    %mul3A_8 = arith.muli %add3A_4, %mul3A_7 : i32
    %multiple_of3A_9 = tpu.assume_multiple %mul3A_8, 8 : i32
    "tpu.region"() ({
      %run_scoped3A = tpu.sem_alloc : memref<!tpu.dma_semaphore, #tpu.memory_space<semaphore_mem>>
      %dma_start3A = arith.constant 0 : i32
      %dma_start3A_20 = tpu.memref_slice %arg2[%multiple_of3A, %dma_start3A] : memref<100000x128xf32, #tpu.memory_space<hbm>> -> memref<1x128xf32, #tpu.memory_space<hbm>>
      %dma_start3A_21 = tpu.memref_squeeze %dma_start3A_20 : memref<1x128xf32, #tpu.memory_space<hbm>> -> memref<128xf32, #tpu.memory_space<hbm>>
      %dma_start3A_22 = arith.constant 0 : i32
      %dma_start3A_23 = tpu.memref_slice %arg2[%multiple_of3A, %dma_start3A_22] : memref<100000x128xf32, #tpu.memory_space<hbm>> -> memref<1x128xf32, #tpu.memory_space<hbm>>
      %dma_start3A_24 = tpu.memref_squeeze %dma_start3A_23 : memref<1x128xf32, #tpu.memory_space<hbm>> -> memref<128xf32, #tpu.memory_space<hbm>>
      tpu.enqueue_dma source(%dma_start3A_24 : memref<128xf32, #tpu.memory_space<hbm>>) target(%arg4 : memref<128xf32, #tpu.memory_space<vmem>>) target_semaphore(%run_scoped3A : memref<!tpu.dma_semaphore, #tpu.memory_space<semaphore_mem>>)
      %dma_wait3A = arith.constant 0 : i32
      %dma_wait3A_25 = tpu.memref_slice %arg2[%multiple_of3A, %dma_wait3A] : memref<100000x128xf32, #tpu.memory_space<hbm>> -> memref<1x128xf32, #tpu.memory_space<hbm>>
      %dma_wait3A_26 = tpu.memref_squeeze %dma_wait3A_25 : memref<1x128xf32, #tpu.memory_space<hbm>> -> memref<128xf32, #tpu.memory_space<hbm>>
      %dma_wait3A_27 = arith.constant 0 : i32
      %dma_wait3A_28 = tpu.memref_slice %arg2[%multiple_of3A, %dma_wait3A_27] : memref<100000x128xf32, #tpu.memory_space<hbm>> -> memref<1x128xf32, #tpu.memory_space<hbm>>
      %dma_wait3A_29 = tpu.memref_squeeze %dma_wait3A_28 : memref<1x128xf32, #tpu.memory_space<hbm>> -> memref<128xf32, #tpu.memory_space<hbm>>
      tpu.wait_dma2 semaphore(%run_scoped3A : memref<!tpu.dma_semaphore, #tpu.memory_space<semaphore_mem>>) src(%dma_wait3A_29 : memref<128xf32, #tpu.memory_space<hbm>>) dst(%arg4 : memref<128xf32, #tpu.memory_space<vmem>>)
      tpu.yield
    }) : () -> ()
    "tpu.region"() ({
      %run_scoped3A = tpu.sem_alloc : memref<!tpu.dma_semaphore, #tpu.memory_space<semaphore_mem>>
      %dma_start3A = tpu.memref_slice %arg3[%multiple_of3A_9] : memref<8192xf32, #tpu.memory_space<hbm>> -> memref<128xf32, #tpu.memory_space<hbm>>
      %dma_start3A_20 = tpu.memref_slice %arg3[%multiple_of3A_9] : memref<8192xf32, #tpu.memory_space<hbm>> -> memref<128xf32, #tpu.memory_space<hbm>>
      tpu.enqueue_dma source(%arg4 : memref<128xf32, #tpu.memory_space<vmem>>) target(%dma_start3A_20 : memref<128xf32, #tpu.memory_space<hbm>>) target_semaphore(%run_scoped3A : memref<!tpu.dma_semaphore, #tpu.memory_space<semaphore_mem>>)
      %dma_wait3A = tpu.memref_slice %arg3[%multiple_of3A_9] : memref<8192xf32, #tpu.memory_space<hbm>> -> memref<128xf32, #tpu.memory_space<hbm>>
      %dma_wait3A_21 = tpu.memref_slice %arg3[%multiple_of3A_9] : memref<8192xf32, #tpu.memory_space<hbm>> -> memref<128xf32, #tpu.memory_space<hbm>>
      tpu.wait_dma2 semaphore(%run_scoped3A : memref<!tpu.dma_semaphore, #tpu.memory_space<semaphore_mem>>) src(%arg4 : memref<128xf32, #tpu.memory_space<vmem>>) dst(%dma_wait3A_21 : memref<128xf32, #tpu.memory_space<hbm>>)
      tpu.yield
    }) : () -> ()
    %mul3A_10 = arith.constant 2 : i32
    %mul3A_11 = arith.muli %add3A, %mul3A_10 : i32
    %add3A_12 = arith.constant 1 : i32
    %add3A_13 = arith.addi %mul3A_11, %add3A_12 : i32
    %mul3A_14 = arith.constant 1000 : i32
    %mul3A_15 = arith.muli %add3A_13, %mul3A_14 : i32
    %multiple_of3A_16 = tpu.assume_multiple %mul3A_15, 8 : i32
    %mul3A_17 = arith.constant 128 : i32
    %mul3A_18 = arith.muli %add3A_13, %mul3A_17 : i32
    %multiple_of3A_19 = tpu.assume_multiple %mul3A_18, 8 : i32
    "tpu.region"() ({
      %run_scoped3A = tpu.sem_alloc : memref<!tpu.dma_semaphore, #tpu.memory_space<semaphore_mem>>
      %dma_start3A = arith.constant 0 : i32
      %dma_start3A_20 = tpu.memref_slice %arg2[%multiple_of3A_16, %dma_start3A] : memref<100000x128xf32, #tpu.memory_space<hbm>> -> memref<1x128xf32, #tpu.memory_space<hbm>>
      %dma_start3A_21 = tpu.memref_squeeze %dma_start3A_20 : memref<1x128xf32, #tpu.memory_space<hbm>> -> memref<128xf32, #tpu.memory_space<hbm>>
      %dma_start3A_22 = arith.constant 0 : i32
      %dma_start3A_23 = tpu.memref_slice %arg2[%multiple_of3A_16, %dma_start3A_22] : memref<100000x128xf32, #tpu.memory_space<hbm>> -> memref<1x128xf32, #tpu.memory_space<hbm>>
      %dma_start3A_24 = tpu.memref_squeeze %dma_start3A_23 : memref<1x128xf32, #tpu.memory_space<hbm>> -> memref<128xf32, #tpu.memory_space<hbm>>
      tpu.enqueue_dma source(%dma_start3A_24 : memref<128xf32, #tpu.memory_space<hbm>>) target(%arg4 : memref<128xf32, #tpu.memory_space<vmem>>) target_semaphore(%run_scoped3A : memref<!tpu.dma_semaphore, #tpu.memory_space<semaphore_mem>>)
      %dma_wait3A = arith.constant 0 : i32
      %dma_wait3A_25 = tpu.memref_slice %arg2[%multiple_of3A_16, %dma_wait3A] : memref<100000x128xf32, #tpu.memory_space<hbm>> -> memref<1x128xf32, #tpu.memory_space<hbm>>
      %dma_wait3A_26 = tpu.memref_squeeze %dma_wait3A_25 : memref<1x128xf32, #tpu.memory_space<hbm>> -> memref<128xf32, #tpu.memory_space<hbm>>
      %dma_wait3A_27 = arith.constant 0 : i32
      %dma_wait3A_28 = tpu.memref_slice %arg2[%multiple_of3A_16, %dma_wait3A_27] : memref<100000x128xf32, #tpu.memory_space<hbm>> -> memref<1x128xf32, #tpu.memory_space<hbm>>
      %dma_wait3A_29 = tpu.memref_squeeze %dma_wait3A_28 : memref<1x128xf32, #tpu.memory_space<hbm>> -> memref<128xf32, #tpu.memory_space<hbm>>
      tpu.wait_dma2 semaphore(%run_scoped3A : memref<!tpu.dma_semaphore, #tpu.memory_space<semaphore_mem>>) src(%dma_wait3A_29 : memref<128xf32, #tpu.memory_space<hbm>>) dst(%arg4 : memref<128xf32, #tpu.memory_space<vmem>>)
      tpu.yield
    }) : () -> ()
    "tpu.region"() ({
      %run_scoped3A = tpu.sem_alloc : memref<!tpu.dma_semaphore, #tpu.memory_space<semaphore_mem>>
      %dma_start3A = tpu.memref_slice %arg3[%multiple_of3A_19] : memref<8192xf32, #tpu.memory_space<hbm>> -> memref<128xf32, #tpu.memory_space<hbm>>
      %dma_start3A_20 = tpu.memref_slice %arg3[%multiple_of3A_19] : memref<8192xf32, #tpu.memory_space<hbm>> -> memref<128xf32, #tpu.memory_space<hbm>>
      tpu.enqueue_dma source(%arg4 : memref<128xf32, #tpu.memory_space<vmem>>) target(%dma_start3A_20 : memref<128xf32, #tpu.memory_space<hbm>>) target_semaphore(%run_scoped3A : memref<!tpu.dma_semaphore, #tpu.memory_space<semaphore_mem>>)
      %dma_wait3A = tpu.memref_slice %arg3[%multiple_of3A_19] : memref<8192xf32, #tpu.memory_space<hbm>> -> memref<128xf32, #tpu.memory_space<hbm>>
      %dma_wait3A_21 = tpu.memref_slice %arg3[%multiple_of3A_19] : memref<8192xf32, #tpu.memory_space<hbm>> -> memref<128xf32, #tpu.memory_space<hbm>>
      tpu.wait_dma2 semaphore(%run_scoped3A : memref<!tpu.dma_semaphore, #tpu.memory_space<semaphore_mem>>) src(%arg4 : memref<128xf32, #tpu.memory_space<vmem>>) dst(%dma_wait3A_21 : memref<128xf32, #tpu.memory_space<hbm>>)
      tpu.yield
    }) : () -> ()
    return
  }
}

module attributes {stable_mosaic.version = 14 : i64} {
  func.func @_tc_body(%arg0: i32, %arg1: memref<8192xf32, #tpu.memory_space<any>>, %arg2: memref<100000x128xf32, #tpu.memory_space<any>>, %arg3: memref<10000x128xf32, #tpu.memory_space<vmem>>, %arg4: memref<10x!tpu.dma_semaphore, #tpu.memory_space<semaphore_mem>>, %arg5: memref<!tpu.dma_semaphore, #tpu.memory_space<semaphore_mem>>) attributes {dimension_semantics = [#tpu.dimension_semantics<arbitrary>], iteration_bounds = array<i64: 1>, scalar_prefetch = 0 : i64, scratch_operands = 3 : i64, tpu.core_type = #tpu.core_type<tc>, window_params = [{}, {}]} {
    %broadcast_in_dim3A = arith.constant 0xFF800000 : f32
    %broadcast_in_dim3A_0 = vector.broadcast %broadcast_in_dim3A : f32 to vector<10000x128xf32>
    %swap3A = arith.constant 0 : index
    %swap3A_1 = arith.constant 0 : index
    %swap3A_2 = vector.load %arg3[%swap3A, %swap3A_1] : memref<10000x128xf32, #tpu.memory_space<vmem>>, vector<10000x128xf32>
    tpu.vector_store %arg3[%swap3A, %swap3A_1], %broadcast_in_dim3A_0 {strides = array<i32>} : memref<10000x128xf32, #tpu.memory_space<vmem>>, vector<10000x128xf32>,
    %dma_start3A = arith.constant 0 : i32
    %dma_start3A_3 = tpu.memref_slice %arg4[%dma_start3A] : memref<10x!tpu.dma_semaphore, #tpu.memory_space<semaphore_mem>> -> memref<1x!tpu.dma_semaphore, #tpu.memory_space<semaphore_mem>>
    %dma_start3A_4 = tpu.memref_squeeze %dma_start3A_3 : memref<1x!tpu.dma_semaphore, #tpu.memory_space<semaphore_mem>> -> memref<!tpu.dma_semaphore, #tpu.memory_space<semaphore_mem>>
    %dma_start3A_5 = arith.constant 0 : i32
    %dma_start3A_6 = arith.constant 0 : i32
    %dma_start3A_7 = tpu.memref_slice %arg2[%dma_start3A_5, %dma_start3A_6] : memref<100000x128xf32, #tpu.memory_space<any>> -> memref<10000x128xf32, #tpu.memory_space<any>>
    tpu.enqueue_dma source(%arg3 : memref<10000x128xf32, #tpu.memory_space<vmem>>) target(%dma_start3A_7 : memref<10000x128xf32, #tpu.memory_space<any>>) target_semaphore(%dma_start3A_4 : memref<!tpu.dma_semaphore, #tpu.memory_space<semaphore_mem>>)
    %dma_start3A_8 = arith.constant 1 : i32
    %dma_start3A_9 = tpu.memref_slice %arg4[%dma_start3A_8] : memref<10x!tpu.dma_semaphore, #tpu.memory_space<semaphore_mem>> -> memref<1x!tpu.dma_semaphore, #tpu.memory_space<semaphore_mem>>
    %dma_start3A_10 = tpu.memref_squeeze %dma_start3A_9 : memref<1x!tpu.dma_semaphore, #tpu.memory_space<semaphore_mem>> -> memref<!tpu.dma_semaphore, #tpu.memory_space<semaphore_mem>>
    %dma_start3A_11 = arith.constant 10000 : i32
    %dma_start3A_12 = arith.constant 0 : i32
    %dma_start3A_13 = tpu.memref_slice %arg2[%dma_start3A_11, %dma_start3A_12] : memref<100000x128xf32, #tpu.memory_space<any>> -> memref<10000x128xf32, #tpu.memory_space<any>>
    tpu.enqueue_dma source(%arg3 : memref<10000x128xf32, #tpu.memory_space<vmem>>) target(%dma_start3A_13 : memref<10000x128xf32, #tpu.memory_space<any>>) target_semaphore(%dma_start3A_10 : memref<!tpu.dma_semaphore, #tpu.memory_space<semaphore_mem>>)
    %dma_start3A_14 = arith.constant 2 : i32
    %dma_start3A_15 = tpu.memref_slice %arg4[%dma_start3A_14] : memref<10x!tpu.dma_semaphore, #tpu.memory_space<semaphore_mem>> -> memref<1x!tpu.dma_semaphore, #tpu.memory_space<semaphore_mem>>
    %dma_start3A_16 = tpu.memref_squeeze %dma_start3A_15 : memref<1x!tpu.dma_semaphore, #tpu.memory_space<semaphore_mem>> -> memref<!tpu.dma_semaphore, #tpu.memory_space<semaphore_mem>>
    %dma_start3A_17 = arith.constant 20000 : i32
    %dma_start3A_18 = arith.constant 0 : i32
    %dma_start3A_19 = tpu.memref_slice %arg2[%dma_start3A_17, %dma_start3A_18] : memref<100000x128xf32, #tpu.memory_space<any>> -> memref<10000x128xf32, #tpu.memory_space<any>>
    tpu.enqueue_dma source(%arg3 : memref<10000x128xf32, #tpu.memory_space<vmem>>) target(%dma_start3A_19 : memref<10000x128xf32, #tpu.memory_space<any>>) target_semaphore(%dma_start3A_16 : memref<!tpu.dma_semaphore, #tpu.memory_space<semaphore_mem>>)
    %dma_start3A_20 = arith.constant 3 : i32
    %dma_start3A_21 = tpu.memref_slice %arg4[%dma_start3A_20] : memref<10x!tpu.dma_semaphore, #tpu.memory_space<semaphore_mem>> -> memref<1x!tpu.dma_semaphore, #tpu.memory_space<semaphore_mem>>
    %dma_start3A_22 = tpu.memref_squeeze %dma_start3A_21 : memref<1x!tpu.dma_semaphore, #tpu.memory_space<semaphore_mem>> -> memref<!tpu.dma_semaphore, #tpu.memory_space<semaphore_mem>>
    %dma_start3A_23 = arith.constant 30000 : i32
    %dma_start3A_24 = arith.constant 0 : i32
    %dma_start3A_25 = tpu.memref_slice %arg2[%dma_start3A_23, %dma_start3A_24] : memref<100000x128xf32, #tpu.memory_space<any>> -> memref<10000x128xf32, #tpu.memory_space<any>>
    tpu.enqueue_dma source(%arg3 : memref<10000x128xf32, #tpu.memory_space<vmem>>) target(%dma_start3A_25 : memref<10000x128xf32, #tpu.memory_space<any>>) target_semaphore(%dma_start3A_22 : memref<!tpu.dma_semaphore, #tpu.memory_space<semaphore_mem>>)
    %dma_start3A_26 = arith.constant 4 : i32
    %dma_start3A_27 = tpu.memref_slice %arg4[%dma_start3A_26] : memref<10x!tpu.dma_semaphore, #tpu.memory_space<semaphore_mem>> -> memref<1x!tpu.dma_semaphore, #tpu.memory_space<semaphore_mem>>
    %dma_start3A_28 = tpu.memref_squeeze %dma_start3A_27 : memref<1x!tpu.dma_semaphore, #tpu.memory_space<semaphore_mem>> -> memref<!tpu.dma_semaphore, #tpu.memory_space<semaphore_mem>>
    %dma_start3A_29 = arith.constant 40000 : i32
    %dma_start3A_30 = arith.constant 0 : i32
    %dma_start3A_31 = tpu.memref_slice %arg2[%dma_start3A_29, %dma_start3A_30] : memref<100000x128xf32, #tpu.memory_space<any>> -> memref<10000x128xf32, #tpu.memory_space<any>>
    tpu.enqueue_dma source(%arg3 : memref<10000x128xf32, #tpu.memory_space<vmem>>) target(%dma_start3A_31 : memref<10000x128xf32, #tpu.memory_space<any>>) target_semaphore(%dma_start3A_28 : memref<!tpu.dma_semaphore, #tpu.memory_space<semaphore_mem>>)
    %dma_start3A_32 = arith.constant 5 : i32
    %dma_start3A_33 = tpu.memref_slice %arg4[%dma_start3A_32] : memref<10x!tpu.dma_semaphore, #tpu.memory_space<semaphore_mem>> -> memref<1x!tpu.dma_semaphore, #tpu.memory_space<semaphore_mem>>
    %dma_start3A_34 = tpu.memref_squeeze %dma_start3A_33 : memref<1x!tpu.dma_semaphore, #tpu.memory_space<semaphore_mem>> -> memref<!tpu.dma_semaphore, #tpu.memory_space<semaphore_mem>>
    %dma_start3A_35 = arith.constant 50000 : i32
    %dma_start3A_36 = arith.constant 0 : i32
    %dma_start3A_37 = tpu.memref_slice %arg2[%dma_start3A_35, %dma_start3A_36] : memref<100000x128xf32, #tpu.memory_space<any>> -> memref<10000x128xf32, #tpu.memory_space<any>>
    tpu.enqueue_dma source(%arg3 : memref<10000x128xf32, #tpu.memory_space<vmem>>) target(%dma_start3A_37 : memref<10000x128xf32, #tpu.memory_space<any>>) target_semaphore(%dma_start3A_34 : memref<!tpu.dma_semaphore, #tpu.memory_space<semaphore_mem>>)
    %dma_start3A_38 = arith.constant 6 : i32
    %dma_start3A_39 = tpu.memref_slice %arg4[%dma_start3A_38] : memref<10x!tpu.dma_semaphore, #tpu.memory_space<semaphore_mem>> -> memref<1x!tpu.dma_semaphore, #tpu.memory_space<semaphore_mem>>
    %dma_start3A_40 = tpu.memref_squeeze %dma_start3A_39 : memref<1x!tpu.dma_semaphore, #tpu.memory_space<semaphore_mem>> -> memref<!tpu.dma_semaphore, #tpu.memory_space<semaphore_mem>>
    %dma_start3A_41 = arith.constant 60000 : i32
    %dma_start3A_42 = arith.constant 0 : i32
    %dma_start3A_43 = tpu.memref_slice %arg2[%dma_start3A_41, %dma_start3A_42] : memref<100000x128xf32, #tpu.memory_space<any>> -> memref<10000x128xf32, #tpu.memory_space<any>>
    tpu.enqueue_dma source(%arg3 : memref<10000x128xf32, #tpu.memory_space<vmem>>) target(%dma_start3A_43 : memref<10000x128xf32, #tpu.memory_space<any>>) target_semaphore(%dma_start3A_40 : memref<!tpu.dma_semaphore, #tpu.memory_space<semaphore_mem>>)
    %dma_start3A_44 = arith.constant 7 : i32
    %dma_start3A_45 = tpu.memref_slice %arg4[%dma_start3A_44] : memref<10x!tpu.dma_semaphore, #tpu.memory_space<semaphore_mem>> -> memref<1x!tpu.dma_semaphore, #tpu.memory_space<semaphore_mem>>
    %dma_start3A_46 = tpu.memref_squeeze %dma_start3A_45 : memref<1x!tpu.dma_semaphore, #tpu.memory_space<semaphore_mem>> -> memref<!tpu.dma_semaphore, #tpu.memory_space<semaphore_mem>>
    %dma_start3A_47 = arith.constant 70000 : i32
    %dma_start3A_48 = arith.constant 0 : i32
    %dma_start3A_49 = tpu.memref_slice %arg2[%dma_start3A_47, %dma_start3A_48] : memref<100000x128xf32, #tpu.memory_space<any>> -> memref<10000x128xf32, #tpu.memory_space<any>>
    tpu.enqueue_dma source(%arg3 : memref<10000x128xf32, #tpu.memory_space<vmem>>) target(%dma_start3A_49 : memref<10000x128xf32, #tpu.memory_space<any>>) target_semaphore(%dma_start3A_46 : memref<!tpu.dma_semaphore, #tpu.memory_space<semaphore_mem>>)
    %dma_start3A_50 = arith.constant 8 : i32
    %dma_start3A_51 = tpu.memref_slice %arg4[%dma_start3A_50] : memref<10x!tpu.dma_semaphore, #tpu.memory_space<semaphore_mem>> -> memref<1x!tpu.dma_semaphore, #tpu.memory_space<semaphore_mem>>
    %dma_start3A_52 = tpu.memref_squeeze %dma_start3A_51 : memref<1x!tpu.dma_semaphore, #tpu.memory_space<semaphore_mem>> -> memref<!tpu.dma_semaphore, #tpu.memory_space<semaphore_mem>>
    %dma_start3A_53 = arith.constant 80000 : i32
    %dma_start3A_54 = arith.constant 0 : i32
    %dma_start3A_55 = tpu.memref_slice %arg2[%dma_start3A_53, %dma_start3A_54] : memref<100000x128xf32, #tpu.memory_space<any>> -> memref<10000x128xf32, #tpu.memory_space<any>>
    tpu.enqueue_dma source(%arg3 : memref<10000x128xf32, #tpu.memory_space<vmem>>) target(%dma_start3A_55 : memref<10000x128xf32, #tpu.memory_space<any>>) target_semaphore(%dma_start3A_52 : memref<!tpu.dma_semaphore, #tpu.memory_space<semaphore_mem>>)
    %dma_start3A_56 = arith.constant 9 : i32
    %dma_start3A_57 = tpu.memref_slice %arg4[%dma_start3A_56] : memref<10x!tpu.dma_semaphore, #tpu.memory_space<semaphore_mem>> -> memref<1x!tpu.dma_semaphore, #tpu.memory_space<semaphore_mem>>
    %dma_start3A_58 = tpu.memref_squeeze %dma_start3A_57 : memref<1x!tpu.dma_semaphore, #tpu.memory_space<semaphore_mem>> -> memref<!tpu.dma_semaphore, #tpu.memory_space<semaphore_mem>>
    %dma_start3A_59 = arith.constant 90000 : i32
    %dma_start3A_60 = arith.constant 0 : i32
    %dma_start3A_61 = tpu.memref_slice %arg2[%dma_start3A_59, %dma_start3A_60] : memref<100000x128xf32, #tpu.memory_space<any>> -> memref<10000x128xf32, #tpu.memory_space<any>>
    tpu.enqueue_dma source(%arg3 : memref<10000x128xf32, #tpu.memory_space<vmem>>) target(%dma_start3A_61 : memref<10000x128xf32, #tpu.memory_space<any>>) target_semaphore(%dma_start3A_58 : memref<!tpu.dma_semaphore, #tpu.memory_space<semaphore_mem>>)
    %dma_wait3A = arith.constant 0 : i32
    %dma_wait3A_62 = tpu.memref_slice %arg4[%dma_wait3A] : memref<10x!tpu.dma_semaphore, #tpu.memory_space<semaphore_mem>> -> memref<1x!tpu.dma_semaphore, #tpu.memory_space<semaphore_mem>>
    %dma_wait3A_63 = tpu.memref_squeeze %dma_wait3A_62 : memref<1x!tpu.dma_semaphore, #tpu.memory_space<semaphore_mem>> -> memref<!tpu.dma_semaphore, #tpu.memory_space<semaphore_mem>>
    %dma_wait3A_64 = arith.constant 0 : i32
    %dma_wait3A_65 = arith.constant 0 : i32
    %dma_wait3A_66 = tpu.memref_slice %arg2[%dma_wait3A_64, %dma_wait3A_65] : memref<100000x128xf32, #tpu.memory_space<any>> -> memref<10000x128xf32, #tpu.memory_space<any>>
    tpu.wait_dma2 semaphore(%dma_wait3A_63 : memref<!tpu.dma_semaphore, #tpu.memory_space<semaphore_mem>>) src(%arg3 : memref<10000x128xf32, #tpu.memory_space<vmem>>) dst(%dma_wait3A_66 : memref<10000x128xf32, #tpu.memory_space<any>>)
    %dma_start3A_67 = arith.constant 0 : i32
    %dma_start3A_68 = arith.constant 0 : i32
    %dma_start3A_69 = tpu.memref_slice %arg2[%dma_start3A_67, %dma_start3A_68] : memref<100000x128xf32, #tpu.memory_space<any>> -> memref<1x128xf32, #tpu.memory_space<any>>
    %dma_start3A_70 = tpu.memref_squeeze %dma_start3A_69 : memref<1x128xf32, #tpu.memory_space<any>> -> memref<128xf32, #tpu.memory_space<any>>
    %dma_start3A_71 = arith.constant 0 : i32
    %dma_start3A_72 = tpu.memref_slice %arg1[%dma_start3A_71] : memref<8192xf32, #tpu.memory_space<any>> -> memref<128xf32, #tpu.memory_space<any>>
    tpu.enqueue_dma source(%dma_start3A_72 : memref<128xf32, #tpu.memory_space<any>>) target(%dma_start3A_70 : memref<128xf32, #tpu.memory_space<any>>) target_semaphore(%arg5 : memref<!tpu.dma_semaphore, #tpu.memory_space<semaphore_mem>>)
    %dma_start3A_73 = arith.constant 1000 : i32
    %dma_start3A_74 = arith.constant 0 : i32
    %dma_start3A_75 = tpu.memref_slice %arg2[%dma_start3A_73, %dma_start3A_74] : memref<100000x128xf32, #tpu.memory_space<any>> -> memref<1x128xf32, #tpu.memory_space<any>>
    %dma_start3A_76 = tpu.memref_squeeze %dma_start3A_75 : memref<1x128xf32, #tpu.memory_space<any>> -> memref<128xf32, #tpu.memory_space<any>>
    %dma_start3A_77 = arith.constant 128 : i32
    %dma_start3A_78 = tpu.memref_slice %arg1[%dma_start3A_77] : memref<8192xf32, #tpu.memory_space<any>> -> memref<128xf32, #tpu.memory_space<any>>
    tpu.enqueue_dma source(%dma_start3A_78 : memref<128xf32, #tpu.memory_space<any>>) target(%dma_start3A_76 : memref<128xf32, #tpu.memory_space<any>>) target_semaphore(%arg5 : memref<!tpu.dma_semaphore, #tpu.memory_space<semaphore_mem>>)
    %dma_start3A_79 = arith.constant 2000 : i32
    %dma_start3A_80 = arith.constant 0 : i32
    %dma_start3A_81 = tpu.memref_slice %arg2[%dma_start3A_79, %dma_start3A_80] : memref<100000x128xf32, #tpu.memory_space<any>> -> memref<1x128xf32, #tpu.memory_space<any>>
    %dma_start3A_82 = tpu.memref_squeeze %dma_start3A_81 : memref<1x128xf32, #tpu.memory_space<any>> -> memref<128xf32, #tpu.memory_space<any>>
    %dma_start3A_83 = arith.constant 256 : i32
    %dma_start3A_84 = tpu.memref_slice %arg1[%dma_start3A_83] : memref<8192xf32, #tpu.memory_space<any>> -> memref<128xf32, #tpu.memory_space<any>>
    tpu.enqueue_dma source(%dma_start3A_84 : memref<128xf32, #tpu.memory_space<any>>) target(%dma_start3A_82 : memref<128xf32, #tpu.memory_space<any>>) target_semaphore(%arg5 : memref<!tpu.dma_semaphore, #tpu.memory_space<semaphore_mem>>)
    %dma_start3A_85 = arith.constant 3000 : i32
    %dma_start3A_86 = arith.constant 0 : i32
    %dma_start3A_87 = tpu.memref_slice %arg2[%dma_start3A_85, %dma_start3A_86] : memref<100000x128xf32, #tpu.memory_space<any>> -> memref<1x128xf32, #tpu.memory_space<any>>
    %dma_start3A_88 = tpu.memref_squeeze %dma_start3A_87 : memref<1x128xf32, #tpu.memory_space<any>> -> memref<128xf32, #tpu.memory_space<any>>
    %dma_start3A_89 = arith.constant 384 : i32
    %dma_start3A_90 = tpu.memref_slice %arg1[%dma_start3A_89] : memref<8192xf32, #tpu.memory_space<any>> -> memref<128xf32, #tpu.memory_space<any>>
    tpu.enqueue_dma source(%dma_start3A_90 : memref<128xf32, #tpu.memory_space<any>>) target(%dma_start3A_88 : memref<128xf32, #tpu.memory_space<any>>) target_semaphore(%arg5 : memref<!tpu.dma_semaphore, #tpu.memory_space<semaphore_mem>>)
    %dma_start3A_91 = arith.constant 4000 : i32
    %dma_start3A_92 = arith.constant 0 : i32
    %dma_start3A_93 = tpu.memref_slice %arg2[%dma_start3A_91, %dma_start3A_92] : memref<100000x128xf32, #tpu.memory_space<any>> -> memref<1x128xf32, #tpu.memory_space<any>>
    %dma_start3A_94 = tpu.memref_squeeze %dma_start3A_93 : memref<1x128xf32, #tpu.memory_space<any>> -> memref<128xf32, #tpu.memory_space<any>>
    %dma_start3A_95 = arith.constant 512 : i32
    %dma_start3A_96 = tpu.memref_slice %arg1[%dma_start3A_95] : memref<8192xf32, #tpu.memory_space<any>> -> memref<128xf32, #tpu.memory_space<any>>
    tpu.enqueue_dma source(%dma_start3A_96 : memref<128xf32, #tpu.memory_space<any>>) target(%dma_start3A_94 : memref<128xf32, #tpu.memory_space<any>>) target_semaphore(%arg5 : memref<!tpu.dma_semaphore, #tpu.memory_space<semaphore_mem>>)
    %dma_start3A_97 = arith.constant 5000 : i32
    %dma_start3A_98 = arith.constant 0 : i32
    %dma_start3A_99 = tpu.memref_slice %arg2[%dma_start3A_97, %dma_start3A_98] : memref<100000x128xf32, #tpu.memory_space<any>> -> memref<1x128xf32, #tpu.memory_space<any>>
    %dma_start3A_100 = tpu.memref_squeeze %dma_start3A_99 : memref<1x128xf32, #tpu.memory_space<any>> -> memref<128xf32, #tpu.memory_space<any>>
    %dma_start3A_101 = arith.constant 640 : i32
    %dma_start3A_102 = tpu.memref_slice %arg1[%dma_start3A_101] : memref<8192xf32, #tpu.memory_space<any>> -> memref<128xf32, #tpu.memory_space<any>>
    tpu.enqueue_dma source(%dma_start3A_102 : memref<128xf32, #tpu.memory_space<any>>) target(%dma_start3A_100 : memref<128xf32, #tpu.memory_space<any>>) target_semaphore(%arg5 : memref<!tpu.dma_semaphore, #tpu.memory_space<semaphore_mem>>)
    %dma_start3A_103 = arith.constant 6000 : i32
    %dma_start3A_104 = arith.constant 0 : i32
    %dma_start3A_105 = tpu.memref_slice %arg2[%dma_start3A_103, %dma_start3A_104] : memref<100000x128xf32, #tpu.memory_space<any>> -> memref<1x128xf32, #tpu.memory_space<any>>
    %dma_start3A_106 = tpu.memref_squeeze %dma_start3A_105 : memref<1x128xf32, #tpu.memory_space<any>> -> memref<128xf32, #tpu.memory_space<any>>
    %dma_start3A_107 = arith.constant 768 : i32
    %dma_start3A_108 = tpu.memref_slice %arg1[%dma_start3A_107] : memref<8192xf32, #tpu.memory_space<any>> -> memref<128xf32, #tpu.memory_space<any>>
    tpu.enqueue_dma source(%dma_start3A_108 : memref<128xf32, #tpu.memory_space<any>>) target(%dma_start3A_106 : memref<128xf32, #tpu.memory_space<any>>) target_semaphore(%arg5 : memref<!tpu.dma_semaphore, #tpu.memory_space<semaphore_mem>>)
    %dma_start3A_109 = arith.constant 7000 : i32
    %dma_start3A_110 = arith.constant 0 : i32
    %dma_start3A_111 = tpu.memref_slice %arg2[%dma_start3A_109, %dma_start3A_110] : memref<100000x128xf32, #tpu.memory_space<any>> -> memref<1x128xf32, #tpu.memory_space<any>>
    %dma_start3A_112 = tpu.memref_squeeze %dma_start3A_111 : memref<1x128xf32, #tpu.memory_space<any>> -> memref<128xf32, #tpu.memory_space<any>>
    %dma_start3A_113 = arith.constant 896 : i32
    %dma_start3A_114 = tpu.memref_slice %arg1[%dma_start3A_113] : memref<8192xf32, #tpu.memory_space<any>> -> memref<128xf32, #tpu.memory_space<any>>
    tpu.enqueue_dma source(%dma_start3A_114 : memref<128xf32, #tpu.memory_space<any>>) target(%dma_start3A_112 : memref<128xf32, #tpu.memory_space<any>>) target_semaphore(%arg5 : memref<!tpu.dma_semaphore, #tpu.memory_space<semaphore_mem>>)
    %dma_start3A_115 = arith.constant 8000 : i32
    %dma_start3A_116 = arith.constant 0 : i32
    %dma_start3A_117 = tpu.memref_slice %arg2[%dma_start3A_115, %dma_start3A_116] : memref<100000x128xf32, #tpu.memory_space<any>> -> memref<1x128xf32, #tpu.memory_space<any>>
    %dma_start3A_118 = tpu.memref_squeeze %dma_start3A_117 : memref<1x128xf32, #tpu.memory_space<any>> -> memref<128xf32, #tpu.memory_space<any>>
    %dma_start3A_119 = arith.constant 1024 : i32
    %dma_start3A_120 = tpu.memref_slice %arg1[%dma_start3A_119] : memref<8192xf32, #tpu.memory_space<any>> -> memref<128xf32, #tpu.memory_space<any>>
    tpu.enqueue_dma source(%dma_start3A_120 : memref<128xf32, #tpu.memory_space<any>>) target(%dma_start3A_118 : memref<128xf32, #tpu.memory_space<any>>) target_semaphore(%arg5 : memref<!tpu.dma_semaphore, #tpu.memory_space<semaphore_mem>>)
    %dma_start3A_121 = arith.constant 9000 : i32
    %dma_start3A_122 = arith.constant 0 : i32
    %dma_start3A_123 = tpu.memref_slice %arg2[%dma_start3A_121, %dma_start3A_122] : memref<100000x128xf32, #tpu.memory_space<any>> -> memref<1x128xf32, #tpu.memory_space<any>>
    %dma_start3A_124 = tpu.memref_squeeze %dma_start3A_123 : memref<1x128xf32, #tpu.memory_space<any>> -> memref<128xf32, #tpu.memory_space<any>>
    %dma_start3A_125 = arith.constant 1152 : i32
    %dma_start3A_126 = tpu.memref_slice %arg1[%dma_start3A_125] : memref<8192xf32, #tpu.memory_space<any>> -> memref<128xf32, #tpu.memory_space<any>>
    tpu.enqueue_dma source(%dma_start3A_126 : memref<128xf32, #tpu.memory_space<any>>) target(%dma_start3A_124 : memref<128xf32, #tpu.memory_space<any>>) target_semaphore(%arg5 : memref<!tpu.dma_semaphore, #tpu.memory_space<semaphore_mem>>)
    %dma_wait3A_127 = arith.constant 1 : i32
    %dma_wait3A_128 = tpu.memref_slice %arg4[%dma_wait3A_127] : memref<10x!tpu.dma_semaphore, #tpu.memory_space<semaphore_mem>> -> memref<1x!tpu.dma_semaphore, #tpu.memory_space<semaphore_mem>>
    %dma_wait3A_129 = tpu.memref_squeeze %dma_wait3A_128 : memref<1x!tpu.dma_semaphore, #tpu.memory_space<semaphore_mem>> -> memref<!tpu.dma_semaphore, #tpu.memory_space<semaphore_mem>>
    %dma_wait3A_130 = arith.constant 10000 : i32
    %dma_wait3A_131 = arith.constant 0 : i32
    %dma_wait3A_132 = tpu.memref_slice %arg2[%dma_wait3A_130, %dma_wait3A_131] : memref<100000x128xf32, #tpu.memory_space<any>> -> memref<10000x128xf32, #tpu.memory_space<any>>
    tpu.wait_dma2 semaphore(%dma_wait3A_129 : memref<!tpu.dma_semaphore, #tpu.memory_space<semaphore_mem>>) src(%arg3 : memref<10000x128xf32, #tpu.memory_space<vmem>>) dst(%dma_wait3A_132 : memref<10000x128xf32, #tpu.memory_space<any>>)
    %dma_start3A_133 = arith.constant 10000 : i32
    %dma_start3A_134 = arith.constant 0 : i32
    %dma_start3A_135 = tpu.memref_slice %arg2[%dma_start3A_133, %dma_start3A_134] : memref<100000x128xf32, #tpu.memory_space<any>> -> memref<1x128xf32, #tpu.memory_space<any>>
    %dma_start3A_136 = tpu.memref_squeeze %dma_start3A_135 : memref<1x128xf32, #tpu.memory_space<any>> -> memref<128xf32, #tpu.memory_space<any>>
    %dma_start3A_137 = arith.constant 1280 : i32
    %dma_start3A_138 = tpu.memref_slice %arg1[%dma_start3A_137] : memref<8192xf32, #tpu.memory_space<any>> -> memref<128xf32, #tpu.memory_space<any>>
    tpu.enqueue_dma source(%dma_start3A_138 : memref<128xf32, #tpu.memory_space<any>>) target(%dma_start3A_136 : memref<128xf32, #tpu.memory_space<any>>) target_semaphore(%arg5 : memref<!tpu.dma_semaphore, #tpu.memory_space<semaphore_mem>>)
    %dma_start3A_139 = arith.constant 11000 : i32
    %dma_start3A_140 = arith.constant 0 : i32
    %dma_start3A_141 = tpu.memref_slice %arg2[%dma_start3A_139, %dma_start3A_140] : memref<100000x128xf32, #tpu.memory_space<any>> -> memref<1x128xf32, #tpu.memory_space<any>>
    %dma_start3A_142 = tpu.memref_squeeze %dma_start3A_141 : memref<1x128xf32, #tpu.memory_space<any>> -> memref<128xf32, #tpu.memory_space<any>>
    %dma_start3A_143 = arith.constant 1408 : i32
    %dma_start3A_144 = tpu.memref_slice %arg1[%dma_start3A_143] : memref<8192xf32, #tpu.memory_space<any>> -> memref<128xf32, #tpu.memory_space<any>>
    tpu.enqueue_dma source(%dma_start3A_144 : memref<128xf32, #tpu.memory_space<any>>) target(%dma_start3A_142 : memref<128xf32, #tpu.memory_space<any>>) target_semaphore(%arg5 : memref<!tpu.dma_semaphore, #tpu.memory_space<semaphore_mem>>)
    %dma_start3A_145 = arith.constant 12000 : i32
    %dma_start3A_146 = arith.constant 0 : i32
    %dma_start3A_147 = tpu.memref_slice %arg2[%dma_start3A_145, %dma_start3A_146] : memref<100000x128xf32, #tpu.memory_space<any>> -> memref<1x128xf32, #tpu.memory_space<any>>
    %dma_start3A_148 = tpu.memref_squeeze %dma_start3A_147 : memref<1x128xf32, #tpu.memory_space<any>> -> memref<128xf32, #tpu.memory_space<any>>
    %dma_start3A_149 = arith.constant 1536 : i32
    %dma_start3A_150 = tpu.memref_slice %arg1[%dma_start3A_149] : memref<8192xf32, #tpu.memory_space<any>> -> memref<128xf32, #tpu.memory_space<any>>
    tpu.enqueue_dma source(%dma_start3A_150 : memref<128xf32, #tpu.memory_space<any>>) target(%dma_start3A_148 : memref<128xf32, #tpu.memory_space<any>>) target_semaphore(%arg5 : memref<!tpu.dma_semaphore, #tpu.memory_space<semaphore_mem>>)
    %dma_start3A_151 = arith.constant 13000 : i32
    %dma_start3A_152 = arith.constant 0 : i32
    %dma_start3A_153 = tpu.memref_slice %arg2[%dma_start3A_151, %dma_start3A_152] : memref<100000x128xf32, #tpu.memory_space<any>> -> memref<1x128xf32, #tpu.memory_space<any>>
    %dma_start3A_154 = tpu.memref_squeeze %dma_start3A_153 : memref<1x128xf32, #tpu.memory_space<any>> -> memref<128xf32, #tpu.memory_space<any>>
    %dma_start3A_155 = arith.constant 1664 : i32
    %dma_start3A_156 = tpu.memref_slice %arg1[%dma_start3A_155] : memref<8192xf32, #tpu.memory_space<any>> -> memref<128xf32, #tpu.memory_space<any>>
    tpu.enqueue_dma source(%dma_start3A_156 : memref<128xf32, #tpu.memory_space<any>>) target(%dma_start3A_154 : memref<128xf32, #tpu.memory_space<any>>) target_semaphore(%arg5 : memref<!tpu.dma_semaphore, #tpu.memory_space<semaphore_mem>>)
    %dma_start3A_157 = arith.constant 14000 : i32
    %dma_start3A_158 = arith.constant 0 : i32
    %dma_start3A_159 = tpu.memref_slice %arg2[%dma_start3A_157, %dma_start3A_158] : memref<100000x128xf32, #tpu.memory_space<any>> -> memref<1x128xf32, #tpu.memory_space<any>>
    %dma_start3A_160 = tpu.memref_squeeze %dma_start3A_159 : memref<1x128xf32, #tpu.memory_space<any>> -> memref<128xf32, #tpu.memory_space<any>>
    %dma_start3A_161 = arith.constant 1792 : i32
    %dma_start3A_162 = tpu.memref_slice %arg1[%dma_start3A_161] : memref<8192xf32, #tpu.memory_space<any>> -> memref<128xf32, #tpu.memory_space<any>>
    tpu.enqueue_dma source(%dma_start3A_162 : memref<128xf32, #tpu.memory_space<any>>) target(%dma_start3A_160 : memref<128xf32, #tpu.memory_space<any>>) target_semaphore(%arg5 : memref<!tpu.dma_semaphore, #tpu.memory_space<semaphore_mem>>)
    %dma_start3A_163 = arith.constant 15000 : i32
    %dma_start3A_164 = arith.constant 0 : i32
    %dma_start3A_165 = tpu.memref_slice %arg2[%dma_start3A_163, %dma_start3A_164] : memref<100000x128xf32, #tpu.memory_space<any>> -> memref<1x128xf32, #tpu.memory_space<any>>
    %dma_start3A_166 = tpu.memref_squeeze %dma_start3A_165 : memref<1x128xf32, #tpu.memory_space<any>> -> memref<128xf32, #tpu.memory_space<any>>
    %dma_start3A_167 = arith.constant 1920 : i32
    %dma_start3A_168 = tpu.memref_slice %arg1[%dma_start3A_167] : memref<8192xf32, #tpu.memory_space<any>> -> memref<128xf32, #tpu.memory_space<any>>
    tpu.enqueue_dma source(%dma_start3A_168 : memref<128xf32, #tpu.memory_space<any>>) target(%dma_start3A_166 : memref<128xf32, #tpu.memory_space<any>>) target_semaphore(%arg5 : memref<!tpu.dma_semaphore, #tpu.memory_space<semaphore_mem>>)
    %dma_start3A_169 = arith.constant 16000 : i32
    %dma_start3A_170 = arith.constant 0 : i32
    %dma_start3A_171 = tpu.memref_slice %arg2[%dma_start3A_169, %dma_start3A_170] : memref<100000x128xf32, #tpu.memory_space<any>> -> memref<1x128xf32, #tpu.memory_space<any>>
    %dma_start3A_172 = tpu.memref_squeeze %dma_start3A_171 : memref<1x128xf32, #tpu.memory_space<any>> -> memref<128xf32, #tpu.memory_space<any>>
    %dma_start3A_173 = arith.constant 2048 : i32
    %dma_start3A_174 = tpu.memref_slice %arg1[%dma_start3A_173] : memref<8192xf32, #tpu.memory_space<any>> -> memref<128xf32, #tpu.memory_space<any>>
    tpu.enqueue_dma source(%dma_start3A_174 : memref<128xf32, #tpu.memory_space<any>>) target(%dma_start3A_172 : memref<128xf32, #tpu.memory_space<any>>) target_semaphore(%arg5 : memref<!tpu.dma_semaphore, #tpu.memory_space<semaphore_mem>>)
    %dma_start3A_175 = arith.constant 17000 : i32
    %dma_start3A_176 = arith.constant 0 : i32
    %dma_start3A_177 = tpu.memref_slice %arg2[%dma_start3A_175, %dma_start3A_176] : memref<100000x128xf32, #tpu.memory_space<any>> -> memref<1x128xf32, #tpu.memory_space<any>>
    %dma_start3A_178 = tpu.memref_squeeze %dma_start3A_177 : memref<1x128xf32, #tpu.memory_space<any>> -> memref<128xf32, #tpu.memory_space<any>>
    %dma_start3A_179 = arith.constant 2176 : i32
    %dma_start3A_180 = tpu.memref_slice %arg1[%dma_start3A_179] : memref<8192xf32, #tpu.memory_space<any>> -> memref<128xf32, #tpu.memory_space<any>>
    tpu.enqueue_dma source(%dma_start3A_180 : memref<128xf32, #tpu.memory_space<any>>) target(%dma_start3A_178 : memref<128xf32, #tpu.memory_space<any>>) target_semaphore(%arg5 : memref<!tpu.dma_semaphore, #tpu.memory_space<semaphore_mem>>)
    %dma_start3A_181 = arith.constant 18000 : i32
    %dma_start3A_182 = arith.constant 0 : i32
    %dma_start3A_183 = tpu.memref_slice %arg2[%dma_start3A_181, %dma_start3A_182] : memref<100000x128xf32, #tpu.memory_space<any>> -> memref<1x128xf32, #tpu.memory_space<any>>
    %dma_start3A_184 = tpu.memref_squeeze %dma_start3A_183 : memref<1x128xf32, #tpu.memory_space<any>> -> memref<128xf32, #tpu.memory_space<any>>
    %dma_start3A_185 = arith.constant 2304 : i32
    %dma_start3A_186 = tpu.memref_slice %arg1[%dma_start3A_185] : memref<8192xf32, #tpu.memory_space<any>> -> memref<128xf32, #tpu.memory_space<any>>
    tpu.enqueue_dma source(%dma_start3A_186 : memref<128xf32, #tpu.memory_space<any>>) target(%dma_start3A_184 : memref<128xf32, #tpu.memory_space<any>>) target_semaphore(%arg5 : memref<!tpu.dma_semaphore, #tpu.memory_space<semaphore_mem>>)
    %dma_start3A_187 = arith.constant 19000 : i32
    %dma_start3A_188 = arith.constant 0 : i32
    %dma_start3A_189 = tpu.memref_slice %arg2[%dma_start3A_187, %dma_start3A_188] : memref<100000x128xf32, #tpu.memory_space<any>> -> memref<1x128xf32, #tpu.memory_space<any>>
    %dma_start3A_190 = tpu.memref_squeeze %dma_start3A_189 : memref<1x128xf32, #tpu.memory_space<any>> -> memref<128xf32, #tpu.memory_space<any>>
    %dma_start3A_191 = arith.constant 2432 : i32
    %dma_start3A_192 = tpu.memref_slice %arg1[%dma_start3A_191] : memref<8192xf32, #tpu.memory_space<any>> -> memref<128xf32, #tpu.memory_space<any>>
    tpu.enqueue_dma source(%dma_start3A_192 : memref<128xf32, #tpu.memory_space<any>>) target(%dma_start3A_190 : memref<128xf32, #tpu.memory_space<any>>) target_semaphore(%arg5 : memref<!tpu.dma_semaphore, #tpu.memory_space<semaphore_mem>>)
    %dma_wait3A_193 = arith.constant 2 : i32
    %dma_wait3A_194 = tpu.memref_slice %arg4[%dma_wait3A_193] : memref<10x!tpu.dma_semaphore, #tpu.memory_space<semaphore_mem>> -> memref<1x!tpu.dma_semaphore, #tpu.memory_space<semaphore_mem>>
    %dma_wait3A_195 = tpu.memref_squeeze %dma_wait3A_194 : memref<1x!tpu.dma_semaphore, #tpu.memory_space<semaphore_mem>> -> memref<!tpu.dma_semaphore, #tpu.memory_space<semaphore_mem>>
    %dma_wait3A_196 = arith.constant 20000 : i32
    %dma_wait3A_197 = arith.constant 0 : i32
    %dma_wait3A_198 = tpu.memref_slice %arg2[%dma_wait3A_196, %dma_wait3A_197] : memref<100000x128xf32, #tpu.memory_space<any>> -> memref<10000x128xf32, #tpu.memory_space<any>>
    tpu.wait_dma2 semaphore(%dma_wait3A_195 : memref<!tpu.dma_semaphore, #tpu.memory_space<semaphore_mem>>) src(%arg3 : memref<10000x128xf32, #tpu.memory_space<vmem>>) dst(%dma_wait3A_198 : memref<10000x128xf32, #tpu.memory_space<any>>)
    %dma_start3A_199 = arith.constant 20000 : i32
    %dma_start3A_200 = arith.constant 0 : i32
    %dma_start3A_201 = tpu.memref_slice %arg2[%dma_start3A_199, %dma_start3A_200] : memref<100000x128xf32, #tpu.memory_space<any>> -> memref<1x128xf32, #tpu.memory_space<any>>
    %dma_start3A_202 = tpu.memref_squeeze %dma_start3A_201 : memref<1x128xf32, #tpu.memory_space<any>> -> memref<128xf32, #tpu.memory_space<any>>
    %dma_start3A_203 = arith.constant 2560 : i32
    %dma_start3A_204 = tpu.memref_slice %arg1[%dma_start3A_203] : memref<8192xf32, #tpu.memory_space<any>> -> memref<128xf32, #tpu.memory_space<any>>
    tpu.enqueue_dma source(%dma_start3A_204 : memref<128xf32, #tpu.memory_space<any>>) target(%dma_start3A_202 : memref<128xf32, #tpu.memory_space<any>>) target_semaphore(%arg5 : memref<!tpu.dma_semaphore, #tpu.memory_space<semaphore_mem>>)
    %dma_start3A_205 = arith.constant 21000 : i32
    %dma_start3A_206 = arith.constant 0 : i32
    %dma_start3A_207 = tpu.memref_slice %arg2[%dma_start3A_205, %dma_start3A_206] : memref<100000x128xf32, #tpu.memory_space<any>> -> memref<1x128xf32, #tpu.memory_space<any>>
    %dma_start3A_208 = tpu.memref_squeeze %dma_start3A_207 : memref<1x128xf32, #tpu.memory_space<any>> -> memref<128xf32, #tpu.memory_space<any>>
    %dma_start3A_209 = arith.constant 2688 : i32
    %dma_start3A_210 = tpu.memref_slice %arg1[%dma_start3A_209] : memref<8192xf32, #tpu.memory_space<any>> -> memref<128xf32, #tpu.memory_space<any>>
    tpu.enqueue_dma source(%dma_start3A_210 : memref<128xf32, #tpu.memory_space<any>>) target(%dma_start3A_208 : memref<128xf32, #tpu.memory_space<any>>) target_semaphore(%arg5 : memref<!tpu.dma_semaphore, #tpu.memory_space<semaphore_mem>>)
    %dma_start3A_211 = arith.constant 22000 : i32
    %dma_start3A_212 = arith.constant 0 : i32
    %dma_start3A_213 = tpu.memref_slice %arg2[%dma_start3A_211, %dma_start3A_212] : memref<100000x128xf32, #tpu.memory_space<any>> -> memref<1x128xf32, #tpu.memory_space<any>>
    %dma_start3A_214 = tpu.memref_squeeze %dma_start3A_213 : memref<1x128xf32, #tpu.memory_space<any>> -> memref<128xf32, #tpu.memory_space<any>>
    %dma_start3A_215 = arith.constant 2816 : i32
    %dma_start3A_216 = tpu.memref_slice %arg1[%dma_start3A_215] : memref<8192xf32, #tpu.memory_space<any>> -> memref<128xf32, #tpu.memory_space<any>>
    tpu.enqueue_dma source(%dma_start3A_216 : memref<128xf32, #tpu.memory_space<any>>) target(%dma_start3A_214 : memref<128xf32, #tpu.memory_space<any>>) target_semaphore(%arg5 : memref<!tpu.dma_semaphore, #tpu.memory_space<semaphore_mem>>)
    %dma_start3A_217 = arith.constant 23000 : i32
    %dma_start3A_218 = arith.constant 0 : i32
    %dma_start3A_219 = tpu.memref_slice %arg2[%dma_start3A_217, %dma_start3A_218] : memref<100000x128xf32, #tpu.memory_space<any>> -> memref<1x128xf32, #tpu.memory_space<any>>
    %dma_start3A_220 = tpu.memref_squeeze %dma_start3A_219 : memref<1x128xf32, #tpu.memory_space<any>> -> memref<128xf32, #tpu.memory_space<any>>
    %dma_start3A_221 = arith.constant 2944 : i32
    %dma_start3A_222 = tpu.memref_slice %arg1[%dma_start3A_221] : memref<8192xf32, #tpu.memory_space<any>> -> memref<128xf32, #tpu.memory_space<any>>
    tpu.enqueue_dma source(%dma_start3A_222 : memref<128xf32, #tpu.memory_space<any>>) target(%dma_start3A_220 : memref<128xf32, #tpu.memory_space<any>>) target_semaphore(%arg5 : memref<!tpu.dma_semaphore, #tpu.memory_space<semaphore_mem>>)
    %dma_start3A_223 = arith.constant 24000 : i32
    %dma_start3A_224 = arith.constant 0 : i32
    %dma_start3A_225 = tpu.memref_slice %arg2[%dma_start3A_223, %dma_start3A_224] : memref<100000x128xf32, #tpu.memory_space<any>> -> memref<1x128xf32, #tpu.memory_space<any>>
    %dma_start3A_226 = tpu.memref_squeeze %dma_start3A_225 : memref<1x128xf32, #tpu.memory_space<any>> -> memref<128xf32, #tpu.memory_space<any>>
    %dma_start3A_227 = arith.constant 3072 : i32
    %dma_start3A_228 = tpu.memref_slice %arg1[%dma_start3A_227] : memref<8192xf32, #tpu.memory_space<any>> -> memref<128xf32, #tpu.memory_space<any>>
    tpu.enqueue_dma source(%dma_start3A_228 : memref<128xf32, #tpu.memory_space<any>>) target(%dma_start3A_226 : memref<128xf32, #tpu.memory_space<any>>) target_semaphore(%arg5 : memref<!tpu.dma_semaphore, #tpu.memory_space<semaphore_mem>>)
    %dma_start3A_229 = arith.constant 25000 : i32
    %dma_start3A_230 = arith.constant 0 : i32
    %dma_start3A_231 = tpu.memref_slice %arg2[%dma_start3A_229, %dma_start3A_230] : memref<100000x128xf32, #tpu.memory_space<any>> -> memref<1x128xf32, #tpu.memory_space<any>>
    %dma_start3A_232 = tpu.memref_squeeze %dma_start3A_231 : memref<1x128xf32, #tpu.memory_space<any>> -> memref<128xf32, #tpu.memory_space<any>>
    %dma_start3A_233 = arith.constant 3200 : i32
    %dma_start3A_234 = tpu.memref_slice %arg1[%dma_start3A_233] : memref<8192xf32, #tpu.memory_space<any>> -> memref<128xf32, #tpu.memory_space<any>>
    tpu.enqueue_dma source(%dma_start3A_234 : memref<128xf32, #tpu.memory_space<any>>) target(%dma_start3A_232 : memref<128xf32, #tpu.memory_space<any>>) target_semaphore(%arg5 : memref<!tpu.dma_semaphore, #tpu.memory_space<semaphore_mem>>)
    %dma_start3A_235 = arith.constant 26000 : i32
    %dma_start3A_236 = arith.constant 0 : i32
    %dma_start3A_237 = tpu.memref_slice %arg2[%dma_start3A_235, %dma_start3A_236] : memref<100000x128xf32, #tpu.memory_space<any>> -> memref<1x128xf32, #tpu.memory_space<any>>
    %dma_start3A_238 = tpu.memref_squeeze %dma_start3A_237 : memref<1x128xf32, #tpu.memory_space<any>> -> memref<128xf32, #tpu.memory_space<any>>
    %dma_start3A_239 = arith.constant 3328 : i32
    %dma_start3A_240 = tpu.memref_slice %arg1[%dma_start3A_239] : memref<8192xf32, #tpu.memory_space<any>> -> memref<128xf32, #tpu.memory_space<any>>
    tpu.enqueue_dma source(%dma_start3A_240 : memref<128xf32, #tpu.memory_space<any>>) target(%dma_start3A_238 : memref<128xf32, #tpu.memory_space<any>>) target_semaphore(%arg5 : memref<!tpu.dma_semaphore, #tpu.memory_space<semaphore_mem>>)
    %dma_start3A_241 = arith.constant 27000 : i32
    %dma_start3A_242 = arith.constant 0 : i32
    %dma_start3A_243 = tpu.memref_slice %arg2[%dma_start3A_241, %dma_start3A_242] : memref<100000x128xf32, #tpu.memory_space<any>> -> memref<1x128xf32, #tpu.memory_space<any>>
    %dma_start3A_244 = tpu.memref_squeeze %dma_start3A_243 : memref<1x128xf32, #tpu.memory_space<any>> -> memref<128xf32, #tpu.memory_space<any>>
    %dma_start3A_245 = arith.constant 3456 : i32
    %dma_start3A_246 = tpu.memref_slice %arg1[%dma_start3A_245] : memref<8192xf32, #tpu.memory_space<any>> -> memref<128xf32, #tpu.memory_space<any>>
    tpu.enqueue_dma source(%dma_start3A_246 : memref<128xf32, #tpu.memory_space<any>>) target(%dma_start3A_244 : memref<128xf32, #tpu.memory_space<any>>) target_semaphore(%arg5 : memref<!tpu.dma_semaphore, #tpu.memory_space<semaphore_mem>>)
    %dma_start3A_247 = arith.constant 28000 : i32
    %dma_start3A_248 = arith.constant 0 : i32
    %dma_start3A_249 = tpu.memref_slice %arg2[%dma_start3A_247, %dma_start3A_248] : memref<100000x128xf32, #tpu.memory_space<any>> -> memref<1x128xf32, #tpu.memory_space<any>>
    %dma_start3A_250 = tpu.memref_squeeze %dma_start3A_249 : memref<1x128xf32, #tpu.memory_space<any>> -> memref<128xf32, #tpu.memory_space<any>>
    %dma_start3A_251 = arith.constant 3584 : i32
    %dma_start3A_252 = tpu.memref_slice %arg1[%dma_start3A_251] : memref<8192xf32, #tpu.memory_space<any>> -> memref<128xf32, #tpu.memory_space<any>>
    tpu.enqueue_dma source(%dma_start3A_252 : memref<128xf32, #tpu.memory_space<any>>) target(%dma_start3A_250 : memref<128xf32, #tpu.memory_space<any>>) target_semaphore(%arg5 : memref<!tpu.dma_semaphore, #tpu.memory_space<semaphore_mem>>)
    %dma_start3A_253 = arith.constant 29000 : i32
    %dma_start3A_254 = arith.constant 0 : i32
    %dma_start3A_255 = tpu.memref_slice %arg2[%dma_start3A_253, %dma_start3A_254] : memref<100000x128xf32, #tpu.memory_space<any>> -> memref<1x128xf32, #tpu.memory_space<any>>
    %dma_start3A_256 = tpu.memref_squeeze %dma_start3A_255 : memref<1x128xf32, #tpu.memory_space<any>> -> memref<128xf32, #tpu.memory_space<any>>
    %dma_start3A_257 = arith.constant 3712 : i32
    %dma_start3A_258 = tpu.memref_slice %arg1[%dma_start3A_257] : memref<8192xf32, #tpu.memory_space<any>> -> memref<128xf32, #tpu.memory_space<any>>
    tpu.enqueue_dma source(%dma_start3A_258 : memref<128xf32, #tpu.memory_space<any>>) target(%dma_start3A_256 : memref<128xf32, #tpu.memory_space<any>>) target_semaphore(%arg5 : memref<!tpu.dma_semaphore, #tpu.memory_space<semaphore_mem>>)
    %dma_wait3A_259 = arith.constant 3 : i32
    %dma_wait3A_260 = tpu.memref_slice %arg4[%dma_wait3A_259] : memref<10x!tpu.dma_semaphore, #tpu.memory_space<semaphore_mem>> -> memref<1x!tpu.dma_semaphore, #tpu.memory_space<semaphore_mem>>
    %dma_wait3A_261 = tpu.memref_squeeze %dma_wait3A_260 : memref<1x!tpu.dma_semaphore, #tpu.memory_space<semaphore_mem>> -> memref<!tpu.dma_semaphore, #tpu.memory_space<semaphore_mem>>
    %dma_wait3A_262 = arith.constant 30000 : i32
    %dma_wait3A_263 = arith.constant 0 : i32
    %dma_wait3A_264 = tpu.memref_slice %arg2[%dma_wait3A_262, %dma_wait3A_263] : memref<100000x128xf32, #tpu.memory_space<any>> -> memref<10000x128xf32, #tpu.memory_space<any>>
    tpu.wait_dma2 semaphore(%dma_wait3A_261 : memref<!tpu.dma_semaphore, #tpu.memory_space<semaphore_mem>>) src(%arg3 : memref<10000x128xf32, #tpu.memory_space<vmem>>) dst(%dma_wait3A_264 : memref<10000x128xf32, #tpu.memory_space<any>>)
    %dma_start3A_265 = arith.constant 30000 : i32
    %dma_start3A_266 = arith.constant 0 : i32
    %dma_start3A_267 = tpu.memref_slice %arg2[%dma_start3A_265, %dma_start3A_266] : memref<100000x128xf32, #tpu.memory_space<any>> -> memref<1x128xf32, #tpu.memory_space<any>>
    %dma_start3A_268 = tpu.memref_squeeze %dma_start3A_267 : memref<1x128xf32, #tpu.memory_space<any>> -> memref<128xf32, #tpu.memory_space<any>>
    %dma_start3A_269 = arith.constant 3840 : i32
    %dma_start3A_270 = tpu.memref_slice %arg1[%dma_start3A_269] : memref<8192xf32, #tpu.memory_space<any>> -> memref<128xf32, #tpu.memory_space<any>>
    tpu.enqueue_dma source(%dma_start3A_270 : memref<128xf32, #tpu.memory_space<any>>) target(%dma_start3A_268 : memref<128xf32, #tpu.memory_space<any>>) target_semaphore(%arg5 : memref<!tpu.dma_semaphore, #tpu.memory_space<semaphore_mem>>)
    %dma_start3A_271 = arith.constant 31000 : i32
    %dma_start3A_272 = arith.constant 0 : i32
    %dma_start3A_273 = tpu.memref_slice %arg2[%dma_start3A_271, %dma_start3A_272] : memref<100000x128xf32, #tpu.memory_space<any>> -> memref<1x128xf32, #tpu.memory_space<any>>
    %dma_start3A_274 = tpu.memref_squeeze %dma_start3A_273 : memref<1x128xf32, #tpu.memory_space<any>> -> memref<128xf32, #tpu.memory_space<any>>
    %dma_start3A_275 = arith.constant 3968 : i32
    %dma_start3A_276 = tpu.memref_slice %arg1[%dma_start3A_275] : memref<8192xf32, #tpu.memory_space<any>> -> memref<128xf32, #tpu.memory_space<any>>
    tpu.enqueue_dma source(%dma_start3A_276 : memref<128xf32, #tpu.memory_space<any>>) target(%dma_start3A_274 : memref<128xf32, #tpu.memory_space<any>>) target_semaphore(%arg5 : memref<!tpu.dma_semaphore, #tpu.memory_space<semaphore_mem>>)
    %dma_start3A_277 = arith.constant 32000 : i32
    %dma_start3A_278 = arith.constant 0 : i32
    %dma_start3A_279 = tpu.memref_slice %arg2[%dma_start3A_277, %dma_start3A_278] : memref<100000x128xf32, #tpu.memory_space<any>> -> memref<1x128xf32, #tpu.memory_space<any>>
    %dma_start3A_280 = tpu.memref_squeeze %dma_start3A_279 : memref<1x128xf32, #tpu.memory_space<any>> -> memref<128xf32, #tpu.memory_space<any>>
    %dma_start3A_281 = arith.constant 4096 : i32
    %dma_start3A_282 = tpu.memref_slice %arg1[%dma_start3A_281] : memref<8192xf32, #tpu.memory_space<any>> -> memref<128xf32, #tpu.memory_space<any>>
    tpu.enqueue_dma source(%dma_start3A_282 : memref<128xf32, #tpu.memory_space<any>>) target(%dma_start3A_280 : memref<128xf32, #tpu.memory_space<any>>) target_semaphore(%arg5 : memref<!tpu.dma_semaphore, #tpu.memory_space<semaphore_mem>>)
    %dma_start3A_283 = arith.constant 33000 : i32
    %dma_start3A_284 = arith.constant 0 : i32
    %dma_start3A_285 = tpu.memref_slice %arg2[%dma_start3A_283, %dma_start3A_284] : memref<100000x128xf32, #tpu.memory_space<any>> -> memref<1x128xf32, #tpu.memory_space<any>>
    %dma_start3A_286 = tpu.memref_squeeze %dma_start3A_285 : memref<1x128xf32, #tpu.memory_space<any>> -> memref<128xf32, #tpu.memory_space<any>>
    %dma_start3A_287 = arith.constant 4224 : i32
    %dma_start3A_288 = tpu.memref_slice %arg1[%dma_start3A_287] : memref<8192xf32, #tpu.memory_space<any>> -> memref<128xf32, #tpu.memory_space<any>>
    tpu.enqueue_dma source(%dma_start3A_288 : memref<128xf32, #tpu.memory_space<any>>) target(%dma_start3A_286 : memref<128xf32, #tpu.memory_space<any>>) target_semaphore(%arg5 : memref<!tpu.dma_semaphore, #tpu.memory_space<semaphore_mem>>)
    %dma_start3A_289 = arith.constant 34000 : i32
    %dma_start3A_290 = arith.constant 0 : i32
    %dma_start3A_291 = tpu.memref_slice %arg2[%dma_start3A_289, %dma_start3A_290] : memref<100000x128xf32, #tpu.memory_space<any>> -> memref<1x128xf32, #tpu.memory_space<any>>
    %dma_start3A_292 = tpu.memref_squeeze %dma_start3A_291 : memref<1x128xf32, #tpu.memory_space<any>> -> memref<128xf32, #tpu.memory_space<any>>
    %dma_start3A_293 = arith.constant 4352 : i32
    %dma_start3A_294 = tpu.memref_slice %arg1[%dma_start3A_293] : memref<8192xf32, #tpu.memory_space<any>> -> memref<128xf32, #tpu.memory_space<any>>
    tpu.enqueue_dma source(%dma_start3A_294 : memref<128xf32, #tpu.memory_space<any>>) target(%dma_start3A_292 : memref<128xf32, #tpu.memory_space<any>>) target_semaphore(%arg5 : memref<!tpu.dma_semaphore, #tpu.memory_space<semaphore_mem>>)
    %dma_start3A_295 = arith.constant 35000 : i32
    %dma_start3A_296 = arith.constant 0 : i32
    %dma_start3A_297 = tpu.memref_slice %arg2[%dma_start3A_295, %dma_start3A_296] : memref<100000x128xf32, #tpu.memory_space<any>> -> memref<1x128xf32, #tpu.memory_space<any>>
    %dma_start3A_298 = tpu.memref_squeeze %dma_start3A_297 : memref<1x128xf32, #tpu.memory_space<any>> -> memref<128xf32, #tpu.memory_space<any>>
    %dma_start3A_299 = arith.constant 4480 : i32
    %dma_start3A_300 = tpu.memref_slice %arg1[%dma_start3A_299] : memref<8192xf32, #tpu.memory_space<any>> -> memref<128xf32, #tpu.memory_space<any>>
    tpu.enqueue_dma source(%dma_start3A_300 : memref<128xf32, #tpu.memory_space<any>>) target(%dma_start3A_298 : memref<128xf32, #tpu.memory_space<any>>) target_semaphore(%arg5 : memref<!tpu.dma_semaphore, #tpu.memory_space<semaphore_mem>>)
    %dma_start3A_301 = arith.constant 36000 : i32
    %dma_start3A_302 = arith.constant 0 : i32
    %dma_start3A_303 = tpu.memref_slice %arg2[%dma_start3A_301, %dma_start3A_302] : memref<100000x128xf32, #tpu.memory_space<any>> -> memref<1x128xf32, #tpu.memory_space<any>>
    %dma_start3A_304 = tpu.memref_squeeze %dma_start3A_303 : memref<1x128xf32, #tpu.memory_space<any>> -> memref<128xf32, #tpu.memory_space<any>>
    %dma_start3A_305 = arith.constant 4608 : i32
    %dma_start3A_306 = tpu.memref_slice %arg1[%dma_start3A_305] : memref<8192xf32, #tpu.memory_space<any>> -> memref<128xf32, #tpu.memory_space<any>>
    tpu.enqueue_dma source(%dma_start3A_306 : memref<128xf32, #tpu.memory_space<any>>) target(%dma_start3A_304 : memref<128xf32, #tpu.memory_space<any>>) target_semaphore(%arg5 : memref<!tpu.dma_semaphore, #tpu.memory_space<semaphore_mem>>)
    %dma_start3A_307 = arith.constant 37000 : i32
    %dma_start3A_308 = arith.constant 0 : i32
    %dma_start3A_309 = tpu.memref_slice %arg2[%dma_start3A_307, %dma_start3A_308] : memref<100000x128xf32, #tpu.memory_space<any>> -> memref<1x128xf32, #tpu.memory_space<any>>
    %dma_start3A_310 = tpu.memref_squeeze %dma_start3A_309 : memref<1x128xf32, #tpu.memory_space<any>> -> memref<128xf32, #tpu.memory_space<any>>
    %dma_start3A_311 = arith.constant 4736 : i32
    %dma_start3A_312 = tpu.memref_slice %arg1[%dma_start3A_311] : memref<8192xf32, #tpu.memory_space<any>> -> memref<128xf32, #tpu.memory_space<any>>
    tpu.enqueue_dma source(%dma_start3A_312 : memref<128xf32, #tpu.memory_space<any>>) target(%dma_start3A_310 : memref<128xf32, #tpu.memory_space<any>>) target_semaphore(%arg5 : memref<!tpu.dma_semaphore, #tpu.memory_space<semaphore_mem>>)
    %dma_start3A_313 = arith.constant 38000 : i32
    %dma_start3A_314 = arith.constant 0 : i32
    %dma_start3A_315 = tpu.memref_slice %arg2[%dma_start3A_313, %dma_start3A_314] : memref<100000x128xf32, #tpu.memory_space<any>> -> memref<1x128xf32, #tpu.memory_space<any>>
    %dma_start3A_316 = tpu.memref_squeeze %dma_start3A_315 : memref<1x128xf32, #tpu.memory_space<any>> -> memref<128xf32, #tpu.memory_space<any>>
    %dma_start3A_317 = arith.constant 4864 : i32
    %dma_start3A_318 = tpu.memref_slice %arg1[%dma_start3A_317] : memref<8192xf32, #tpu.memory_space<any>> -> memref<128xf32, #tpu.memory_space<any>>
    tpu.enqueue_dma source(%dma_start3A_318 : memref<128xf32, #tpu.memory_space<any>>) target(%dma_start3A_316 : memref<128xf32, #tpu.memory_space<any>>) target_semaphore(%arg5 : memref<!tpu.dma_semaphore, #tpu.memory_space<semaphore_mem>>)
    %dma_start3A_319 = arith.constant 39000 : i32
    %dma_start3A_320 = arith.constant 0 : i32
    %dma_start3A_321 = tpu.memref_slice %arg2[%dma_start3A_319, %dma_start3A_320] : memref<100000x128xf32, #tpu.memory_space<any>> -> memref<1x128xf32, #tpu.memory_space<any>>
    %dma_start3A_322 = tpu.memref_squeeze %dma_start3A_321 : memref<1x128xf32, #tpu.memory_space<any>> -> memref<128xf32, #tpu.memory_space<any>>
    %dma_start3A_323 = arith.constant 4992 : i32
    %dma_start3A_324 = tpu.memref_slice %arg1[%dma_start3A_323] : memref<8192xf32, #tpu.memory_space<any>> -> memref<128xf32, #tpu.memory_space<any>>
    tpu.enqueue_dma source(%dma_start3A_324 : memref<128xf32, #tpu.memory_space<any>>) target(%dma_start3A_322 : memref<128xf32, #tpu.memory_space<any>>) target_semaphore(%arg5 : memref<!tpu.dma_semaphore, #tpu.memory_space<semaphore_mem>>)
    %dma_wait3A_325 = arith.constant 4 : i32
    %dma_wait3A_326 = tpu.memref_slice %arg4[%dma_wait3A_325] : memref<10x!tpu.dma_semaphore, #tpu.memory_space<semaphore_mem>> -> memref<1x!tpu.dma_semaphore, #tpu.memory_space<semaphore_mem>>
    %dma_wait3A_327 = tpu.memref_squeeze %dma_wait3A_326 : memref<1x!tpu.dma_semaphore, #tpu.memory_space<semaphore_mem>> -> memref<!tpu.dma_semaphore, #tpu.memory_space<semaphore_mem>>
    %dma_wait3A_328 = arith.constant 40000 : i32
    %dma_wait3A_329 = arith.constant 0 : i32
    %dma_wait3A_330 = tpu.memref_slice %arg2[%dma_wait3A_328, %dma_wait3A_329] : memref<100000x128xf32, #tpu.memory_space<any>> -> memref<10000x128xf32, #tpu.memory_space<any>>
    tpu.wait_dma2 semaphore(%dma_wait3A_327 : memref<!tpu.dma_semaphore, #tpu.memory_space<semaphore_mem>>) src(%arg3 : memref<10000x128xf32, #tpu.memory_space<vmem>>) dst(%dma_wait3A_330 : memref<10000x128xf32, #tpu.memory_space<any>>)
    %dma_start3A_331 = arith.constant 40000 : i32
    %dma_start3A_332 = arith.constant 0 : i32
    %dma_start3A_333 = tpu.memref_slice %arg2[%dma_start3A_331, %dma_start3A_332] : memref<100000x128xf32, #tpu.memory_space<any>> -> memref<1x128xf32, #tpu.memory_space<any>>
    %dma_start3A_334 = tpu.memref_squeeze %dma_start3A_333 : memref<1x128xf32, #tpu.memory_space<any>> -> memref<128xf32, #tpu.memory_space<any>>
    %dma_start3A_335 = arith.constant 5120 : i32
    %dma_start3A_336 = tpu.memref_slice %arg1[%dma_start3A_335] : memref<8192xf32, #tpu.memory_space<any>> -> memref<128xf32, #tpu.memory_space<any>>
    tpu.enqueue_dma source(%dma_start3A_336 : memref<128xf32, #tpu.memory_space<any>>) target(%dma_start3A_334 : memref<128xf32, #tpu.memory_space<any>>) target_semaphore(%arg5 : memref<!tpu.dma_semaphore, #tpu.memory_space<semaphore_mem>>)
    %dma_start3A_337 = arith.constant 41000 : i32
    %dma_start3A_338 = arith.constant 0 : i32
    %dma_start3A_339 = tpu.memref_slice %arg2[%dma_start3A_337, %dma_start3A_338] : memref<100000x128xf32, #tpu.memory_space<any>> -> memref<1x128xf32, #tpu.memory_space<any>>
    %dma_start3A_340 = tpu.memref_squeeze %dma_start3A_339 : memref<1x128xf32, #tpu.memory_space<any>> -> memref<128xf32, #tpu.memory_space<any>>
    %dma_start3A_341 = arith.constant 5248 : i32
    %dma_start3A_342 = tpu.memref_slice %arg1[%dma_start3A_341] : memref<8192xf32, #tpu.memory_space<any>> -> memref<128xf32, #tpu.memory_space<any>>
    tpu.enqueue_dma source(%dma_start3A_342 : memref<128xf32, #tpu.memory_space<any>>) target(%dma_start3A_340 : memref<128xf32, #tpu.memory_space<any>>) target_semaphore(%arg5 : memref<!tpu.dma_semaphore, #tpu.memory_space<semaphore_mem>>)
    %dma_start3A_343 = arith.constant 42000 : i32
    %dma_start3A_344 = arith.constant 0 : i32
    %dma_start3A_345 = tpu.memref_slice %arg2[%dma_start3A_343, %dma_start3A_344] : memref<100000x128xf32, #tpu.memory_space<any>> -> memref<1x128xf32, #tpu.memory_space<any>>
    %dma_start3A_346 = tpu.memref_squeeze %dma_start3A_345 : memref<1x128xf32, #tpu.memory_space<any>> -> memref<128xf32, #tpu.memory_space<any>>
    %dma_start3A_347 = arith.constant 5376 : i32
    %dma_start3A_348 = tpu.memref_slice %arg1[%dma_start3A_347] : memref<8192xf32, #tpu.memory_space<any>> -> memref<128xf32, #tpu.memory_space<any>>
    tpu.enqueue_dma source(%dma_start3A_348 : memref<128xf32, #tpu.memory_space<any>>) target(%dma_start3A_346 : memref<128xf32, #tpu.memory_space<any>>) target_semaphore(%arg5 : memref<!tpu.dma_semaphore, #tpu.memory_space<semaphore_mem>>)
    %dma_start3A_349 = arith.constant 43000 : i32
    %dma_start3A_350 = arith.constant 0 : i32
    %dma_start3A_351 = tpu.memref_slice %arg2[%dma_start3A_349, %dma_start3A_350] : memref<100000x128xf32, #tpu.memory_space<any>> -> memref<1x128xf32, #tpu.memory_space<any>>
    %dma_start3A_352 = tpu.memref_squeeze %dma_start3A_351 : memref<1x128xf32, #tpu.memory_space<any>> -> memref<128xf32, #tpu.memory_space<any>>
    %dma_start3A_353 = arith.constant 5504 : i32
    %dma_start3A_354 = tpu.memref_slice %arg1[%dma_start3A_353] : memref<8192xf32, #tpu.memory_space<any>> -> memref<128xf32, #tpu.memory_space<any>>
    tpu.enqueue_dma source(%dma_start3A_354 : memref<128xf32, #tpu.memory_space<any>>) target(%dma_start3A_352 : memref<128xf32, #tpu.memory_space<any>>) target_semaphore(%arg5 : memref<!tpu.dma_semaphore, #tpu.memory_space<semaphore_mem>>)
    %dma_start3A_355 = arith.constant 44000 : i32
    %dma_start3A_356 = arith.constant 0 : i32
    %dma_start3A_357 = tpu.memref_slice %arg2[%dma_start3A_355, %dma_start3A_356] : memref<100000x128xf32, #tpu.memory_space<any>> -> memref<1x128xf32, #tpu.memory_space<any>>
    %dma_start3A_358 = tpu.memref_squeeze %dma_start3A_357 : memref<1x128xf32, #tpu.memory_space<any>> -> memref<128xf32, #tpu.memory_space<any>>
    %dma_start3A_359 = arith.constant 5632 : i32
    %dma_start3A_360 = tpu.memref_slice %arg1[%dma_start3A_359] : memref<8192xf32, #tpu.memory_space<any>> -> memref<128xf32, #tpu.memory_space<any>>
    tpu.enqueue_dma source(%dma_start3A_360 : memref<128xf32, #tpu.memory_space<any>>) target(%dma_start3A_358 : memref<128xf32, #tpu.memory_space<any>>) target_semaphore(%arg5 : memref<!tpu.dma_semaphore, #tpu.memory_space<semaphore_mem>>)
    %dma_start3A_361 = arith.constant 45000 : i32
    %dma_start3A_362 = arith.constant 0 : i32
    %dma_start3A_363 = tpu.memref_slice %arg2[%dma_start3A_361, %dma_start3A_362] : memref<100000x128xf32, #tpu.memory_space<any>> -> memref<1x128xf32, #tpu.memory_space<any>>
    %dma_start3A_364 = tpu.memref_squeeze %dma_start3A_363 : memref<1x128xf32, #tpu.memory_space<any>> -> memref<128xf32, #tpu.memory_space<any>>
    %dma_start3A_365 = arith.constant 5760 : i32
    %dma_start3A_366 = tpu.memref_slice %arg1[%dma_start3A_365] : memref<8192xf32, #tpu.memory_space<any>> -> memref<128xf32, #tpu.memory_space<any>>
    tpu.enqueue_dma source(%dma_start3A_366 : memref<128xf32, #tpu.memory_space<any>>) target(%dma_start3A_364 : memref<128xf32, #tpu.memory_space<any>>) target_semaphore(%arg5 : memref<!tpu.dma_semaphore, #tpu.memory_space<semaphore_mem>>)
    %dma_start3A_367 = arith.constant 46000 : i32
    %dma_start3A_368 = arith.constant 0 : i32
    %dma_start3A_369 = tpu.memref_slice %arg2[%dma_start3A_367, %dma_start3A_368] : memref<100000x128xf32, #tpu.memory_space<any>> -> memref<1x128xf32, #tpu.memory_space<any>>
    %dma_start3A_370 = tpu.memref_squeeze %dma_start3A_369 : memref<1x128xf32, #tpu.memory_space<any>> -> memref<128xf32, #tpu.memory_space<any>>
    %dma_start3A_371 = arith.constant 5888 : i32
    %dma_start3A_372 = tpu.memref_slice %arg1[%dma_start3A_371] : memref<8192xf32, #tpu.memory_space<any>> -> memref<128xf32, #tpu.memory_space<any>>
    tpu.enqueue_dma source(%dma_start3A_372 : memref<128xf32, #tpu.memory_space<any>>) target(%dma_start3A_370 : memref<128xf32, #tpu.memory_space<any>>) target_semaphore(%arg5 : memref<!tpu.dma_semaphore, #tpu.memory_space<semaphore_mem>>)
    %dma_start3A_373 = arith.constant 47000 : i32
    %dma_start3A_374 = arith.constant 0 : i32
    %dma_start3A_375 = tpu.memref_slice %arg2[%dma_start3A_373, %dma_start3A_374] : memref<100000x128xf32, #tpu.memory_space<any>> -> memref<1x128xf32, #tpu.memory_space<any>>
    %dma_start3A_376 = tpu.memref_squeeze %dma_start3A_375 : memref<1x128xf32, #tpu.memory_space<any>> -> memref<128xf32, #tpu.memory_space<any>>
    %dma_start3A_377 = arith.constant 6016 : i32
    %dma_start3A_378 = tpu.memref_slice %arg1[%dma_start3A_377] : memref<8192xf32, #tpu.memory_space<any>> -> memref<128xf32, #tpu.memory_space<any>>
    tpu.enqueue_dma source(%dma_start3A_378 : memref<128xf32, #tpu.memory_space<any>>) target(%dma_start3A_376 : memref<128xf32, #tpu.memory_space<any>>) target_semaphore(%arg5 : memref<!tpu.dma_semaphore, #tpu.memory_space<semaphore_mem>>)
    %dma_start3A_379 = arith.constant 48000 : i32
    %dma_start3A_380 = arith.constant 0 : i32
    %dma_start3A_381 = tpu.memref_slice %arg2[%dma_start3A_379, %dma_start3A_380] : memref<100000x128xf32, #tpu.memory_space<any>> -> memref<1x128xf32, #tpu.memory_space<any>>
    %dma_start3A_382 = tpu.memref_squeeze %dma_start3A_381 : memref<1x128xf32, #tpu.memory_space<any>> -> memref<128xf32, #tpu.memory_space<any>>
    %dma_start3A_383 = arith.constant 6144 : i32
    %dma_start3A_384 = tpu.memref_slice %arg1[%dma_start3A_383] : memref<8192xf32, #tpu.memory_space<any>> -> memref<128xf32, #tpu.memory_space<any>>
    tpu.enqueue_dma source(%dma_start3A_384 : memref<128xf32, #tpu.memory_space<any>>) target(%dma_start3A_382 : memref<128xf32, #tpu.memory_space<any>>) target_semaphore(%arg5 : memref<!tpu.dma_semaphore, #tpu.memory_space<semaphore_mem>>)
    %dma_start3A_385 = arith.constant 49000 : i32
    %dma_start3A_386 = arith.constant 0 : i32
    %dma_start3A_387 = tpu.memref_slice %arg2[%dma_start3A_385, %dma_start3A_386] : memref<100000x128xf32, #tpu.memory_space<any>> -> memref<1x128xf32, #tpu.memory_space<any>>
    %dma_start3A_388 = tpu.memref_squeeze %dma_start3A_387 : memref<1x128xf32, #tpu.memory_space<any>> -> memref<128xf32, #tpu.memory_space<any>>
    %dma_start3A_389 = arith.constant 6272 : i32
    %dma_start3A_390 = tpu.memref_slice %arg1[%dma_start3A_389] : memref<8192xf32, #tpu.memory_space<any>> -> memref<128xf32, #tpu.memory_space<any>>
    tpu.enqueue_dma source(%dma_start3A_390 : memref<128xf32, #tpu.memory_space<any>>) target(%dma_start3A_388 : memref<128xf32, #tpu.memory_space<any>>) target_semaphore(%arg5 : memref<!tpu.dma_semaphore, #tpu.memory_space<semaphore_mem>>)
    %dma_wait3A_391 = arith.constant 5 : i32
    %dma_wait3A_392 = tpu.memref_slice %arg4[%dma_wait3A_391] : memref<10x!tpu.dma_semaphore, #tpu.memory_space<semaphore_mem>> -> memref<1x!tpu.dma_semaphore, #tpu.memory_space<semaphore_mem>>
    %dma_wait3A_393 = tpu.memref_squeeze %dma_wait3A_392 : memref<1x!tpu.dma_semaphore, #tpu.memory_space<semaphore_mem>> -> memref<!tpu.dma_semaphore, #tpu.memory_space<semaphore_mem>>
    %dma_wait3A_394 = arith.constant 50000 : i32
    %dma_wait3A_395 = arith.constant 0 : i32
    %dma_wait3A_396 = tpu.memref_slice %arg2[%dma_wait3A_394, %dma_wait3A_395] : memref<100000x128xf32, #tpu.memory_space<any>> -> memref<10000x128xf32, #tpu.memory_space<any>>
    tpu.wait_dma2 semaphore(%dma_wait3A_393 : memref<!tpu.dma_semaphore, #tpu.memory_space<semaphore_mem>>) src(%arg3 : memref<10000x128xf32, #tpu.memory_space<vmem>>) dst(%dma_wait3A_396 : memref<10000x128xf32, #tpu.memory_space<any>>)
    %dma_start3A_397 = arith.constant 50000 : i32
    %dma_start3A_398 = arith.constant 0 : i32
    %dma_start3A_399 = tpu.memref_slice %arg2[%dma_start3A_397, %dma_start3A_398] : memref<100000x128xf32, #tpu.memory_space<any>> -> memref<1x128xf32, #tpu.memory_space<any>>
    %dma_start3A_400 = tpu.memref_squeeze %dma_start3A_399 : memref<1x128xf32, #tpu.memory_space<any>> -> memref<128xf32, #tpu.memory_space<any>>
    %dma_start3A_401 = arith.constant 6400 : i32
    %dma_start3A_402 = tpu.memref_slice %arg1[%dma_start3A_401] : memref<8192xf32, #tpu.memory_space<any>> -> memref<128xf32, #tpu.memory_space<any>>
    tpu.enqueue_dma source(%dma_start3A_402 : memref<128xf32, #tpu.memory_space<any>>) target(%dma_start3A_400 : memref<128xf32, #tpu.memory_space<any>>) target_semaphore(%arg5 : memref<!tpu.dma_semaphore, #tpu.memory_space<semaphore_mem>>)
    %dma_start3A_403 = arith.constant 51000 : i32
    %dma_start3A_404 = arith.constant 0 : i32
    %dma_start3A_405 = tpu.memref_slice %arg2[%dma_start3A_403, %dma_start3A_404] : memref<100000x128xf32, #tpu.memory_space<any>> -> memref<1x128xf32, #tpu.memory_space<any>>
    %dma_start3A_406 = tpu.memref_squeeze %dma_start3A_405 : memref<1x128xf32, #tpu.memory_space<any>> -> memref<128xf32, #tpu.memory_space<any>>
    %dma_start3A_407 = arith.constant 6528 : i32
    %dma_start3A_408 = tpu.memref_slice %arg1[%dma_start3A_407] : memref<8192xf32, #tpu.memory_space<any>> -> memref<128xf32, #tpu.memory_space<any>>
    tpu.enqueue_dma source(%dma_start3A_408 : memref<128xf32, #tpu.memory_space<any>>) target(%dma_start3A_406 : memref<128xf32, #tpu.memory_space<any>>) target_semaphore(%arg5 : memref<!tpu.dma_semaphore, #tpu.memory_space<semaphore_mem>>)
    %dma_start3A_409 = arith.constant 52000 : i32
    %dma_start3A_410 = arith.constant 0 : i32
    %dma_start3A_411 = tpu.memref_slice %arg2[%dma_start3A_409, %dma_start3A_410] : memref<100000x128xf32, #tpu.memory_space<any>> -> memref<1x128xf32, #tpu.memory_space<any>>
    %dma_start3A_412 = tpu.memref_squeeze %dma_start3A_411 : memref<1x128xf32, #tpu.memory_space<any>> -> memref<128xf32, #tpu.memory_space<any>>
    %dma_start3A_413 = arith.constant 6656 : i32
    %dma_start3A_414 = tpu.memref_slice %arg1[%dma_start3A_413] : memref<8192xf32, #tpu.memory_space<any>> -> memref<128xf32, #tpu.memory_space<any>>
    tpu.enqueue_dma source(%dma_start3A_414 : memref<128xf32, #tpu.memory_space<any>>) target(%dma_start3A_412 : memref<128xf32, #tpu.memory_space<any>>) target_semaphore(%arg5 : memref<!tpu.dma_semaphore, #tpu.memory_space<semaphore_mem>>)
    %dma_start3A_415 = arith.constant 53000 : i32
    %dma_start3A_416 = arith.constant 0 : i32
    %dma_start3A_417 = tpu.memref_slice %arg2[%dma_start3A_415, %dma_start3A_416] : memref<100000x128xf32, #tpu.memory_space<any>> -> memref<1x128xf32, #tpu.memory_space<any>>
    %dma_start3A_418 = tpu.memref_squeeze %dma_start3A_417 : memref<1x128xf32, #tpu.memory_space<any>> -> memref<128xf32, #tpu.memory_space<any>>
    %dma_start3A_419 = arith.constant 6784 : i32
    %dma_start3A_420 = tpu.memref_slice %arg1[%dma_start3A_419] : memref<8192xf32, #tpu.memory_space<any>> -> memref<128xf32, #tpu.memory_space<any>>
    tpu.enqueue_dma source(%dma_start3A_420 : memref<128xf32, #tpu.memory_space<any>>) target(%dma_start3A_418 : memref<128xf32, #tpu.memory_space<any>>) target_semaphore(%arg5 : memref<!tpu.dma_semaphore, #tpu.memory_space<semaphore_mem>>)
    %dma_start3A_421 = arith.constant 54000 : i32
    %dma_start3A_422 = arith.constant 0 : i32
    %dma_start3A_423 = tpu.memref_slice %arg2[%dma_start3A_421, %dma_start3A_422] : memref<100000x128xf32, #tpu.memory_space<any>> -> memref<1x128xf32, #tpu.memory_space<any>>
    %dma_start3A_424 = tpu.memref_squeeze %dma_start3A_423 : memref<1x128xf32, #tpu.memory_space<any>> -> memref<128xf32, #tpu.memory_space<any>>
    %dma_start3A_425 = arith.constant 6912 : i32
    %dma_start3A_426 = tpu.memref_slice %arg1[%dma_start3A_425] : memref<8192xf32, #tpu.memory_space<any>> -> memref<128xf32, #tpu.memory_space<any>>
    tpu.enqueue_dma source(%dma_start3A_426 : memref<128xf32, #tpu.memory_space<any>>) target(%dma_start3A_424 : memref<128xf32, #tpu.memory_space<any>>) target_semaphore(%arg5 : memref<!tpu.dma_semaphore, #tpu.memory_space<semaphore_mem>>)
    %dma_start3A_427 = arith.constant 55000 : i32
    %dma_start3A_428 = arith.constant 0 : i32
    %dma_start3A_429 = tpu.memref_slice %arg2[%dma_start3A_427, %dma_start3A_428] : memref<100000x128xf32, #tpu.memory_space<any>> -> memref<1x128xf32, #tpu.memory_space<any>>
    %dma_start3A_430 = tpu.memref_squeeze %dma_start3A_429 : memref<1x128xf32, #tpu.memory_space<any>> -> memref<128xf32, #tpu.memory_space<any>>
    %dma_start3A_431 = arith.constant 7040 : i32
    %dma_start3A_432 = tpu.memref_slice %arg1[%dma_start3A_431] : memref<8192xf32, #tpu.memory_space<any>> -> memref<128xf32, #tpu.memory_space<any>>
    tpu.enqueue_dma source(%dma_start3A_432 : memref<128xf32, #tpu.memory_space<any>>) target(%dma_start3A_430 : memref<128xf32, #tpu.memory_space<any>>) target_semaphore(%arg5 : memref<!tpu.dma_semaphore, #tpu.memory_space<semaphore_mem>>)
    %dma_start3A_433 = arith.constant 56000 : i32
    %dma_start3A_434 = arith.constant 0 : i32
    %dma_start3A_435 = tpu.memref_slice %arg2[%dma_start3A_433, %dma_start3A_434] : memref<100000x128xf32, #tpu.memory_space<any>> -> memref<1x128xf32, #tpu.memory_space<any>>
    %dma_start3A_436 = tpu.memref_squeeze %dma_start3A_435 : memref<1x128xf32, #tpu.memory_space<any>> -> memref<128xf32, #tpu.memory_space<any>>
    %dma_start3A_437 = arith.constant 7168 : i32
    %dma_start3A_438 = tpu.memref_slice %arg1[%dma_start3A_437] : memref<8192xf32, #tpu.memory_space<any>> -> memref<128xf32, #tpu.memory_space<any>>
    tpu.enqueue_dma source(%dma_start3A_438 : memref<128xf32, #tpu.memory_space<any>>) target(%dma_start3A_436 : memref<128xf32, #tpu.memory_space<any>>) target_semaphore(%arg5 : memref<!tpu.dma_semaphore, #tpu.memory_space<semaphore_mem>>)
    %dma_start3A_439 = arith.constant 57000 : i32
    %dma_start3A_440 = arith.constant 0 : i32
    %dma_start3A_441 = tpu.memref_slice %arg2[%dma_start3A_439, %dma_start3A_440] : memref<100000x128xf32, #tpu.memory_space<any>> -> memref<1x128xf32, #tpu.memory_space<any>>
    %dma_start3A_442 = tpu.memref_squeeze %dma_start3A_441 : memref<1x128xf32, #tpu.memory_space<any>> -> memref<128xf32, #tpu.memory_space<any>>
    %dma_start3A_443 = arith.constant 7296 : i32
    %dma_start3A_444 = tpu.memref_slice %arg1[%dma_start3A_443] : memref<8192xf32, #tpu.memory_space<any>> -> memref<128xf32, #tpu.memory_space<any>>
    tpu.enqueue_dma source(%dma_start3A_444 : memref<128xf32, #tpu.memory_space<any>>) target(%dma_start3A_442 : memref<128xf32, #tpu.memory_space<any>>) target_semaphore(%arg5 : memref<!tpu.dma_semaphore, #tpu.memory_space<semaphore_mem>>)
    %dma_start3A_445 = arith.constant 58000 : i32
    %dma_start3A_446 = arith.constant 0 : i32
    %dma_start3A_447 = tpu.memref_slice %arg2[%dma_start3A_445, %dma_start3A_446] : memref<100000x128xf32, #tpu.memory_space<any>> -> memref<1x128xf32, #tpu.memory_space<any>>
    %dma_start3A_448 = tpu.memref_squeeze %dma_start3A_447 : memref<1x128xf32, #tpu.memory_space<any>> -> memref<128xf32, #tpu.memory_space<any>>
    %dma_start3A_449 = arith.constant 7424 : i32
    %dma_start3A_450 = tpu.memref_slice %arg1[%dma_start3A_449] : memref<8192xf32, #tpu.memory_space<any>> -> memref<128xf32, #tpu.memory_space<any>>
    tpu.enqueue_dma source(%dma_start3A_450 : memref<128xf32, #tpu.memory_space<any>>) target(%dma_start3A_448 : memref<128xf32, #tpu.memory_space<any>>) target_semaphore(%arg5 : memref<!tpu.dma_semaphore, #tpu.memory_space<semaphore_mem>>)
    %dma_start3A_451 = arith.constant 59000 : i32
    %dma_start3A_452 = arith.constant 0 : i32
    %dma_start3A_453 = tpu.memref_slice %arg2[%dma_start3A_451, %dma_start3A_452] : memref<100000x128xf32, #tpu.memory_space<any>> -> memref<1x128xf32, #tpu.memory_space<any>>
    %dma_start3A_454 = tpu.memref_squeeze %dma_start3A_453 : memref<1x128xf32, #tpu.memory_space<any>> -> memref<128xf32, #tpu.memory_space<any>>
    %dma_start3A_455 = arith.constant 7552 : i32
    %dma_start3A_456 = tpu.memref_slice %arg1[%dma_start3A_455] : memref<8192xf32, #tpu.memory_space<any>> -> memref<128xf32, #tpu.memory_space<any>>
    tpu.enqueue_dma source(%dma_start3A_456 : memref<128xf32, #tpu.memory_space<any>>) target(%dma_start3A_454 : memref<128xf32, #tpu.memory_space<any>>) target_semaphore(%arg5 : memref<!tpu.dma_semaphore, #tpu.memory_space<semaphore_mem>>)
    %dma_wait3A_457 = arith.constant 6 : i32
    %dma_wait3A_458 = tpu.memref_slice %arg4[%dma_wait3A_457] : memref<10x!tpu.dma_semaphore, #tpu.memory_space<semaphore_mem>> -> memref<1x!tpu.dma_semaphore, #tpu.memory_space<semaphore_mem>>
    %dma_wait3A_459 = tpu.memref_squeeze %dma_wait3A_458 : memref<1x!tpu.dma_semaphore, #tpu.memory_space<semaphore_mem>> -> memref<!tpu.dma_semaphore, #tpu.memory_space<semaphore_mem>>
    %dma_wait3A_460 = arith.constant 60000 : i32
    %dma_wait3A_461 = arith.constant 0 : i32
    %dma_wait3A_462 = tpu.memref_slice %arg2[%dma_wait3A_460, %dma_wait3A_461] : memref<100000x128xf32, #tpu.memory_space<any>> -> memref<10000x128xf32, #tpu.memory_space<any>>
    tpu.wait_dma2 semaphore(%dma_wait3A_459 : memref<!tpu.dma_semaphore, #tpu.memory_space<semaphore_mem>>) src(%arg3 : memref<10000x128xf32, #tpu.memory_space<vmem>>) dst(%dma_wait3A_462 : memref<10000x128xf32, #tpu.memory_space<any>>)
    %dma_start3A_463 = arith.constant 60000 : i32
    %dma_start3A_464 = arith.constant 0 : i32
    %dma_start3A_465 = tpu.memref_slice %arg2[%dma_start3A_463, %dma_start3A_464] : memref<100000x128xf32, #tpu.memory_space<any>> -> memref<1x128xf32, #tpu.memory_space<any>>
    %dma_start3A_466 = tpu.memref_squeeze %dma_start3A_465 : memref<1x128xf32, #tpu.memory_space<any>> -> memref<128xf32, #tpu.memory_space<any>>
    %dma_start3A_467 = arith.constant 7680 : i32
    %dma_start3A_468 = tpu.memref_slice %arg1[%dma_start3A_467] : memref<8192xf32, #tpu.memory_space<any>> -> memref<128xf32, #tpu.memory_space<any>>
    tpu.enqueue_dma source(%dma_start3A_468 : memref<128xf32, #tpu.memory_space<any>>) target(%dma_start3A_466 : memref<128xf32, #tpu.memory_space<any>>) target_semaphore(%arg5 : memref<!tpu.dma_semaphore, #tpu.memory_space<semaphore_mem>>)
    %dma_start3A_469 = arith.constant 61000 : i32
    %dma_start3A_470 = arith.constant 0 : i32
    %dma_start3A_471 = tpu.memref_slice %arg2[%dma_start3A_469, %dma_start3A_470] : memref<100000x128xf32, #tpu.memory_space<any>> -> memref<1x128xf32, #tpu.memory_space<any>>
    %dma_start3A_472 = tpu.memref_squeeze %dma_start3A_471 : memref<1x128xf32, #tpu.memory_space<any>> -> memref<128xf32, #tpu.memory_space<any>>
    %dma_start3A_473 = arith.constant 7808 : i32
    %dma_start3A_474 = tpu.memref_slice %arg1[%dma_start3A_473] : memref<8192xf32, #tpu.memory_space<any>> -> memref<128xf32, #tpu.memory_space<any>>
    tpu.enqueue_dma source(%dma_start3A_474 : memref<128xf32, #tpu.memory_space<any>>) target(%dma_start3A_472 : memref<128xf32, #tpu.memory_space<any>>) target_semaphore(%arg5 : memref<!tpu.dma_semaphore, #tpu.memory_space<semaphore_mem>>)
    %dma_start3A_475 = arith.constant 62000 : i32
    %dma_start3A_476 = arith.constant 0 : i32
    %dma_start3A_477 = tpu.memref_slice %arg2[%dma_start3A_475, %dma_start3A_476] : memref<100000x128xf32, #tpu.memory_space<any>> -> memref<1x128xf32, #tpu.memory_space<any>>
    %dma_start3A_478 = tpu.memref_squeeze %dma_start3A_477 : memref<1x128xf32, #tpu.memory_space<any>> -> memref<128xf32, #tpu.memory_space<any>>
    %dma_start3A_479 = arith.constant 7936 : i32
    %dma_start3A_480 = tpu.memref_slice %arg1[%dma_start3A_479] : memref<8192xf32, #tpu.memory_space<any>> -> memref<128xf32, #tpu.memory_space<any>>
    tpu.enqueue_dma source(%dma_start3A_480 : memref<128xf32, #tpu.memory_space<any>>) target(%dma_start3A_478 : memref<128xf32, #tpu.memory_space<any>>) target_semaphore(%arg5 : memref<!tpu.dma_semaphore, #tpu.memory_space<semaphore_mem>>)
    %dma_start3A_481 = arith.constant 63000 : i32
    %dma_start3A_482 = arith.constant 0 : i32
    %dma_start3A_483 = tpu.memref_slice %arg2[%dma_start3A_481, %dma_start3A_482] : memref<100000x128xf32, #tpu.memory_space<any>> -> memref<1x128xf32, #tpu.memory_space<any>>
    %dma_start3A_484 = tpu.memref_squeeze %dma_start3A_483 : memref<1x128xf32, #tpu.memory_space<any>> -> memref<128xf32, #tpu.memory_space<any>>
    %dma_start3A_485 = arith.constant 8064 : i32
    %dma_start3A_486 = tpu.memref_slice %arg1[%dma_start3A_485] : memref<8192xf32, #tpu.memory_space<any>> -> memref<128xf32, #tpu.memory_space<any>>
    tpu.enqueue_dma source(%dma_start3A_486 : memref<128xf32, #tpu.memory_space<any>>) target(%dma_start3A_484 : memref<128xf32, #tpu.memory_space<any>>) target_semaphore(%arg5 : memref<!tpu.dma_semaphore, #tpu.memory_space<semaphore_mem>>)
    %dma_wait3A_487 = arith.constant 7 : i32
    %dma_wait3A_488 = tpu.memref_slice %arg4[%dma_wait3A_487] : memref<10x!tpu.dma_semaphore, #tpu.memory_space<semaphore_mem>> -> memref<1x!tpu.dma_semaphore, #tpu.memory_space<semaphore_mem>>
    %dma_wait3A_489 = tpu.memref_squeeze %dma_wait3A_488 : memref<1x!tpu.dma_semaphore, #tpu.memory_space<semaphore_mem>> -> memref<!tpu.dma_semaphore, #tpu.memory_space<semaphore_mem>>
    %dma_wait3A_490 = arith.constant 70000 : i32
    %dma_wait3A_491 = arith.constant 0 : i32
    %dma_wait3A_492 = tpu.memref_slice %arg2[%dma_wait3A_490, %dma_wait3A_491] : memref<100000x128xf32, #tpu.memory_space<any>> -> memref<10000x128xf32, #tpu.memory_space<any>>
    tpu.wait_dma2 semaphore(%dma_wait3A_489 : memref<!tpu.dma_semaphore, #tpu.memory_space<semaphore_mem>>) src(%arg3 : memref<10000x128xf32, #tpu.memory_space<vmem>>) dst(%dma_wait3A_492 : memref<10000x128xf32, #tpu.memory_space<any>>)
    %dma_wait3A_493 = arith.constant 8 : i32
    %dma_wait3A_494 = tpu.memref_slice %arg4[%dma_wait3A_493] : memref<10x!tpu.dma_semaphore, #tpu.memory_space<semaphore_mem>> -> memref<1x!tpu.dma_semaphore, #tpu.memory_space<semaphore_mem>>
    %dma_wait3A_495 = tpu.memref_squeeze %dma_wait3A_494 : memref<1x!tpu.dma_semaphore, #tpu.memory_space<semaphore_mem>> -> memref<!tpu.dma_semaphore, #tpu.memory_space<semaphore_mem>>
    %dma_wait3A_496 = arith.constant 80000 : i32
    %dma_wait3A_497 = arith.constant 0 : i32
    %dma_wait3A_498 = tpu.memref_slice %arg2[%dma_wait3A_496, %dma_wait3A_497] : memref<100000x128xf32, #tpu.memory_space<any>> -> memref<10000x128xf32, #tpu.memory_space<any>>
    tpu.wait_dma2 semaphore(%dma_wait3A_495 : memref<!tpu.dma_semaphore, #tpu.memory_space<semaphore_mem>>) src(%arg3 : memref<10000x128xf32, #tpu.memory_space<vmem>>) dst(%dma_wait3A_498 : memref<10000x128xf32, #tpu.memory_space<any>>)
    %dma_wait3A_499 = arith.constant 9 : i32
    %dma_wait3A_500 = tpu.memref_slice %arg4[%dma_wait3A_499] : memref<10x!tpu.dma_semaphore, #tpu.memory_space<semaphore_mem>> -> memref<1x!tpu.dma_semaphore, #tpu.memory_space<semaphore_mem>>
    %dma_wait3A_501 = tpu.memref_squeeze %dma_wait3A_500 : memref<1x!tpu.dma_semaphore, #tpu.memory_space<semaphore_mem>> -> memref<!tpu.dma_semaphore, #tpu.memory_space<semaphore_mem>>
    %dma_wait3A_502 = arith.constant 90000 : i32
    %dma_wait3A_503 = arith.constant 0 : i32
    %dma_wait3A_504 = tpu.memref_slice %arg2[%dma_wait3A_502, %dma_wait3A_503] : memref<100000x128xf32, #tpu.memory_space<any>> -> memref<10000x128xf32, #tpu.memory_space<any>>
    tpu.wait_dma2 semaphore(%dma_wait3A_501 : memref<!tpu.dma_semaphore, #tpu.memory_space<semaphore_mem>>) src(%arg3 : memref<10000x128xf32, #tpu.memory_space<vmem>>) dst(%dma_wait3A_504 : memref<10000x128xf32, #tpu.memory_space<any>>)
    %dma_wait3A_505 = arith.constant 0 : i32
    %dma_wait3A_506 = arith.constant 0 : i32
    %dma_wait3A_507 = tpu.memref_slice %arg2[%dma_wait3A_505, %dma_wait3A_506] : memref<100000x128xf32, #tpu.memory_space<any>> -> memref<1x128xf32, #tpu.memory_space<any>>
    %dma_wait3A_508 = tpu.memref_squeeze %dma_wait3A_507 : memref<1x128xf32, #tpu.memory_space<any>> -> memref<128xf32, #tpu.memory_space<any>>
    %dma_wait3A_509 = arith.constant 0 : i32
    %dma_wait3A_510 = tpu.memref_slice %arg1[%dma_wait3A_509] : memref<8192xf32, #tpu.memory_space<any>> -> memref<128xf32, #tpu.memory_space<any>>
    tpu.wait_dma2 semaphore(%arg5 : memref<!tpu.dma_semaphore, #tpu.memory_space<semaphore_mem>>) src(%dma_wait3A_510 : memref<128xf32, #tpu.memory_space<any>>) dst(%dma_wait3A_508 : memref<128xf32, #tpu.memory_space<any>>)
    %dma_wait3A_511 = arith.constant 1000 : i32
    %dma_wait3A_512 = arith.constant 0 : i32
    %dma_wait3A_513 = tpu.memref_slice %arg2[%dma_wait3A_511, %dma_wait3A_512] : memref<100000x128xf32, #tpu.memory_space<any>> -> memref<1x128xf32, #tpu.memory_space<any>>
    %dma_wait3A_514 = tpu.memref_squeeze %dma_wait3A_513 : memref<1x128xf32, #tpu.memory_space<any>> -> memref<128xf32, #tpu.memory_space<any>>
    %dma_wait3A_515 = arith.constant 128 : i32
    %dma_wait3A_516 = tpu.memref_slice %arg1[%dma_wait3A_515] : memref<8192xf32, #tpu.memory_space<any>> -> memref<128xf32, #tpu.memory_space<any>>
    tpu.wait_dma2 semaphore(%arg5 : memref<!tpu.dma_semaphore, #tpu.memory_space<semaphore_mem>>) src(%dma_wait3A_516 : memref<128xf32, #tpu.memory_space<any>>) dst(%dma_wait3A_514 : memref<128xf32, #tpu.memory_space<any>>)
    %dma_wait3A_517 = arith.constant 2000 : i32
    %dma_wait3A_518 = arith.constant 0 : i32
    %dma_wait3A_519 = tpu.memref_slice %arg2[%dma_wait3A_517, %dma_wait3A_518] : memref<100000x128xf32, #tpu.memory_space<any>> -> memref<1x128xf32, #tpu.memory_space<any>>
    %dma_wait3A_520 = tpu.memref_squeeze %dma_wait3A_519 : memref<1x128xf32, #tpu.memory_space<any>> -> memref<128xf32, #tpu.memory_space<any>>
    %dma_wait3A_521 = arith.constant 256 : i32
    %dma_wait3A_522 = tpu.memref_slice %arg1[%dma_wait3A_521] : memref<8192xf32, #tpu.memory_space<any>> -> memref<128xf32, #tpu.memory_space<any>>
    tpu.wait_dma2 semaphore(%arg5 : memref<!tpu.dma_semaphore, #tpu.memory_space<semaphore_mem>>) src(%dma_wait3A_522 : memref<128xf32, #tpu.memory_space<any>>) dst(%dma_wait3A_520 : memref<128xf32, #tpu.memory_space<any>>)
    %dma_wait3A_523 = arith.constant 3000 : i32
    %dma_wait3A_524 = arith.constant 0 : i32
    %dma_wait3A_525 = tpu.memref_slice %arg2[%dma_wait3A_523, %dma_wait3A_524] : memref<100000x128xf32, #tpu.memory_space<any>> -> memref<1x128xf32, #tpu.memory_space<any>>
    %dma_wait3A_526 = tpu.memref_squeeze %dma_wait3A_525 : memref<1x128xf32, #tpu.memory_space<any>> -> memref<128xf32, #tpu.memory_space<any>>
    %dma_wait3A_527 = arith.constant 384 : i32
    %dma_wait3A_528 = tpu.memref_slice %arg1[%dma_wait3A_527] : memref<8192xf32, #tpu.memory_space<any>> -> memref<128xf32, #tpu.memory_space<any>>
    tpu.wait_dma2 semaphore(%arg5 : memref<!tpu.dma_semaphore, #tpu.memory_space<semaphore_mem>>) src(%dma_wait3A_528 : memref<128xf32, #tpu.memory_space<any>>) dst(%dma_wait3A_526 : memref<128xf32, #tpu.memory_space<any>>)
    %dma_wait3A_529 = arith.constant 4000 : i32
    %dma_wait3A_530 = arith.constant 0 : i32
    %dma_wait3A_531 = tpu.memref_slice %arg2[%dma_wait3A_529, %dma_wait3A_530] : memref<100000x128xf32, #tpu.memory_space<any>> -> memref<1x128xf32, #tpu.memory_space<any>>
    %dma_wait3A_532 = tpu.memref_squeeze %dma_wait3A_531 : memref<1x128xf32, #tpu.memory_space<any>> -> memref<128xf32, #tpu.memory_space<any>>
    %dma_wait3A_533 = arith.constant 512 : i32
    %dma_wait3A_534 = tpu.memref_slice %arg1[%dma_wait3A_533] : memref<8192xf32, #tpu.memory_space<any>> -> memref<128xf32, #tpu.memory_space<any>>
    tpu.wait_dma2 semaphore(%arg5 : memref<!tpu.dma_semaphore, #tpu.memory_space<semaphore_mem>>) src(%dma_wait3A_534 : memref<128xf32, #tpu.memory_space<any>>) dst(%dma_wait3A_532 : memref<128xf32, #tpu.memory_space<any>>)
    %dma_wait3A_535 = arith.constant 5000 : i32
    %dma_wait3A_536 = arith.constant 0 : i32
    %dma_wait3A_537 = tpu.memref_slice %arg2[%dma_wait3A_535, %dma_wait3A_536] : memref<100000x128xf32, #tpu.memory_space<any>> -> memref<1x128xf32, #tpu.memory_space<any>>
    %dma_wait3A_538 = tpu.memref_squeeze %dma_wait3A_537 : memref<1x128xf32, #tpu.memory_space<any>> -> memref<128xf32, #tpu.memory_space<any>>
    %dma_wait3A_539 = arith.constant 640 : i32
    %dma_wait3A_540 = tpu.memref_slice %arg1[%dma_wait3A_539] : memref<8192xf32, #tpu.memory_space<any>> -> memref<128xf32, #tpu.memory_space<any>>
    tpu.wait_dma2 semaphore(%arg5 : memref<!tpu.dma_semaphore, #tpu.memory_space<semaphore_mem>>) src(%dma_wait3A_540 : memref<128xf32, #tpu.memory_space<any>>) dst(%dma_wait3A_538 : memref<128xf32, #tpu.memory_space<any>>)
    %dma_wait3A_541 = arith.constant 6000 : i32
    %dma_wait3A_542 = arith.constant 0 : i32
    %dma_wait3A_543 = tpu.memref_slice %arg2[%dma_wait3A_541, %dma_wait3A_542] : memref<100000x128xf32, #tpu.memory_space<any>> -> memref<1x128xf32, #tpu.memory_space<any>>
    %dma_wait3A_544 = tpu.memref_squeeze %dma_wait3A_543 : memref<1x128xf32, #tpu.memory_space<any>> -> memref<128xf32, #tpu.memory_space<any>>
    %dma_wait3A_545 = arith.constant 768 : i32
    %dma_wait3A_546 = tpu.memref_slice %arg1[%dma_wait3A_545] : memref<8192xf32, #tpu.memory_space<any>> -> memref<128xf32, #tpu.memory_space<any>>
    tpu.wait_dma2 semaphore(%arg5 : memref<!tpu.dma_semaphore, #tpu.memory_space<semaphore_mem>>) src(%dma_wait3A_546 : memref<128xf32, #tpu.memory_space<any>>) dst(%dma_wait3A_544 : memref<128xf32, #tpu.memory_space<any>>)
    %dma_wait3A_547 = arith.constant 7000 : i32
    %dma_wait3A_548 = arith.constant 0 : i32
    %dma_wait3A_549 = tpu.memref_slice %arg2[%dma_wait3A_547, %dma_wait3A_548] : memref<100000x128xf32, #tpu.memory_space<any>> -> memref<1x128xf32, #tpu.memory_space<any>>
    %dma_wait3A_550 = tpu.memref_squeeze %dma_wait3A_549 : memref<1x128xf32, #tpu.memory_space<any>> -> memref<128xf32, #tpu.memory_space<any>>
    %dma_wait3A_551 = arith.constant 896 : i32
    %dma_wait3A_552 = tpu.memref_slice %arg1[%dma_wait3A_551] : memref<8192xf32, #tpu.memory_space<any>> -> memref<128xf32, #tpu.memory_space<any>>
    tpu.wait_dma2 semaphore(%arg5 : memref<!tpu.dma_semaphore, #tpu.memory_space<semaphore_mem>>) src(%dma_wait3A_552 : memref<128xf32, #tpu.memory_space<any>>) dst(%dma_wait3A_550 : memref<128xf32, #tpu.memory_space<any>>)
    %dma_wait3A_553 = arith.constant 8000 : i32
    %dma_wait3A_554 = arith.constant 0 : i32
    %dma_wait3A_555 = tpu.memref_slice %arg2[%dma_wait3A_553, %dma_wait3A_554] : memref<100000x128xf32, #tpu.memory_space<any>> -> memref<1x128xf32, #tpu.memory_space<any>>
    %dma_wait3A_556 = tpu.memref_squeeze %dma_wait3A_555 : memref<1x128xf32, #tpu.memory_space<any>> -> memref<128xf32, #tpu.memory_space<any>>
    %dma_wait3A_557 = arith.constant 1024 : i32
    %dma_wait3A_558 = tpu.memref_slice %arg1[%dma_wait3A_557] : memref<8192xf32, #tpu.memory_space<any>> -> memref<128xf32, #tpu.memory_space<any>>
    tpu.wait_dma2 semaphore(%arg5 : memref<!tpu.dma_semaphore, #tpu.memory_space<semaphore_mem>>) src(%dma_wait3A_558 : memref<128xf32, #tpu.memory_space<any>>) dst(%dma_wait3A_556 : memref<128xf32, #tpu.memory_space<any>>)
    %dma_wait3A_559 = arith.constant 9000 : i32
    %dma_wait3A_560 = arith.constant 0 : i32
    %dma_wait3A_561 = tpu.memref_slice %arg2[%dma_wait3A_559, %dma_wait3A_560] : memref<100000x128xf32, #tpu.memory_space<any>> -> memref<1x128xf32, #tpu.memory_space<any>>
    %dma_wait3A_562 = tpu.memref_squeeze %dma_wait3A_561 : memref<1x128xf32, #tpu.memory_space<any>> -> memref<128xf32, #tpu.memory_space<any>>
    %dma_wait3A_563 = arith.constant 1152 : i32
    %dma_wait3A_564 = tpu.memref_slice %arg1[%dma_wait3A_563] : memref<8192xf32, #tpu.memory_space<any>> -> memref<128xf32, #tpu.memory_space<any>>
    tpu.wait_dma2 semaphore(%arg5 : memref<!tpu.dma_semaphore, #tpu.memory_space<semaphore_mem>>) src(%dma_wait3A_564 : memref<128xf32, #tpu.memory_space<any>>) dst(%dma_wait3A_562 : memref<128xf32, #tpu.memory_space<any>>)
    %dma_wait3A_565 = arith.constant 10000 : i32
    %dma_wait3A_566 = arith.constant 0 : i32
    %dma_wait3A_567 = tpu.memref_slice %arg2[%dma_wait3A_565, %dma_wait3A_566] : memref<100000x128xf32, #tpu.memory_space<any>> -> memref<1x128xf32, #tpu.memory_space<any>>
    %dma_wait3A_568 = tpu.memref_squeeze %dma_wait3A_567 : memref<1x128xf32, #tpu.memory_space<any>> -> memref<128xf32, #tpu.memory_space<any>>
    %dma_wait3A_569 = arith.constant 1280 : i32
    %dma_wait3A_570 = tpu.memref_slice %arg1[%dma_wait3A_569] : memref<8192xf32, #tpu.memory_space<any>> -> memref<128xf32, #tpu.memory_space<any>>
    tpu.wait_dma2 semaphore(%arg5 : memref<!tpu.dma_semaphore, #tpu.memory_space<semaphore_mem>>) src(%dma_wait3A_570 : memref<128xf32, #tpu.memory_space<any>>) dst(%dma_wait3A_568 : memref<128xf32, #tpu.memory_space<any>>)
    %dma_wait3A_571 = arith.constant 11000 : i32
    %dma_wait3A_572 = arith.constant 0 : i32
    %dma_wait3A_573 = tpu.memref_slice %arg2[%dma_wait3A_571, %dma_wait3A_572] : memref<100000x128xf32, #tpu.memory_space<any>> -> memref<1x128xf32, #tpu.memory_space<any>>
    %dma_wait3A_574 = tpu.memref_squeeze %dma_wait3A_573 : memref<1x128xf32, #tpu.memory_space<any>> -> memref<128xf32, #tpu.memory_space<any>>
    %dma_wait3A_575 = arith.constant 1408 : i32
    %dma_wait3A_576 = tpu.memref_slice %arg1[%dma_wait3A_575] : memref<8192xf32, #tpu.memory_space<any>> -> memref<128xf32, #tpu.memory_space<any>>
    tpu.wait_dma2 semaphore(%arg5 : memref<!tpu.dma_semaphore, #tpu.memory_space<semaphore_mem>>) src(%dma_wait3A_576 : memref<128xf32, #tpu.memory_space<any>>) dst(%dma_wait3A_574 : memref<128xf32, #tpu.memory_space<any>>)
    %dma_wait3A_577 = arith.constant 12000 : i32
    %dma_wait3A_578 = arith.constant 0 : i32
    %dma_wait3A_579 = tpu.memref_slice %arg2[%dma_wait3A_577, %dma_wait3A_578] : memref<100000x128xf32, #tpu.memory_space<any>> -> memref<1x128xf32, #tpu.memory_space<any>>
    %dma_wait3A_580 = tpu.memref_squeeze %dma_wait3A_579 : memref<1x128xf32, #tpu.memory_space<any>> -> memref<128xf32, #tpu.memory_space<any>>
    %dma_wait3A_581 = arith.constant 1536 : i32
    %dma_wait3A_582 = tpu.memref_slice %arg1[%dma_wait3A_581] : memref<8192xf32, #tpu.memory_space<any>> -> memref<128xf32, #tpu.memory_space<any>>
    tpu.wait_dma2 semaphore(%arg5 : memref<!tpu.dma_semaphore, #tpu.memory_space<semaphore_mem>>) src(%dma_wait3A_582 : memref<128xf32, #tpu.memory_space<any>>) dst(%dma_wait3A_580 : memref<128xf32, #tpu.memory_space<any>>)
    %dma_wait3A_583 = arith.constant 13000 : i32
    %dma_wait3A_584 = arith.constant 0 : i32
    %dma_wait3A_585 = tpu.memref_slice %arg2[%dma_wait3A_583, %dma_wait3A_584] : memref<100000x128xf32, #tpu.memory_space<any>> -> memref<1x128xf32, #tpu.memory_space<any>>
    %dma_wait3A_586 = tpu.memref_squeeze %dma_wait3A_585 : memref<1x128xf32, #tpu.memory_space<any>> -> memref<128xf32, #tpu.memory_space<any>>
    %dma_wait3A_587 = arith.constant 1664 : i32
    %dma_wait3A_588 = tpu.memref_slice %arg1[%dma_wait3A_587] : memref<8192xf32, #tpu.memory_space<any>> -> memref<128xf32, #tpu.memory_space<any>>
    tpu.wait_dma2 semaphore(%arg5 : memref<!tpu.dma_semaphore, #tpu.memory_space<semaphore_mem>>) src(%dma_wait3A_588 : memref<128xf32, #tpu.memory_space<any>>) dst(%dma_wait3A_586 : memref<128xf32, #tpu.memory_space<any>>)
    %dma_wait3A_589 = arith.constant 14000 : i32
    %dma_wait3A_590 = arith.constant 0 : i32
    %dma_wait3A_591 = tpu.memref_slice %arg2[%dma_wait3A_589, %dma_wait3A_590] : memref<100000x128xf32, #tpu.memory_space<any>> -> memref<1x128xf32, #tpu.memory_space<any>>
    %dma_wait3A_592 = tpu.memref_squeeze %dma_wait3A_591 : memref<1x128xf32, #tpu.memory_space<any>> -> memref<128xf32, #tpu.memory_space<any>>
    %dma_wait3A_593 = arith.constant 1792 : i32
    %dma_wait3A_594 = tpu.memref_slice %arg1[%dma_wait3A_593] : memref<8192xf32, #tpu.memory_space<any>> -> memref<128xf32, #tpu.memory_space<any>>
    tpu.wait_dma2 semaphore(%arg5 : memref<!tpu.dma_semaphore, #tpu.memory_space<semaphore_mem>>) src(%dma_wait3A_594 : memref<128xf32, #tpu.memory_space<any>>) dst(%dma_wait3A_592 : memref<128xf32, #tpu.memory_space<any>>)
    %dma_wait3A_595 = arith.constant 15000 : i32
    %dma_wait3A_596 = arith.constant 0 : i32
    %dma_wait3A_597 = tpu.memref_slice %arg2[%dma_wait3A_595, %dma_wait3A_596] : memref<100000x128xf32, #tpu.memory_space<any>> -> memref<1x128xf32, #tpu.memory_space<any>>
    %dma_wait3A_598 = tpu.memref_squeeze %dma_wait3A_597 : memref<1x128xf32, #tpu.memory_space<any>> -> memref<128xf32, #tpu.memory_space<any>>
    %dma_wait3A_599 = arith.constant 1920 : i32
    %dma_wait3A_600 = tpu.memref_slice %arg1[%dma_wait3A_599] : memref<8192xf32, #tpu.memory_space<any>> -> memref<128xf32, #tpu.memory_space<any>>
    tpu.wait_dma2 semaphore(%arg5 : memref<!tpu.dma_semaphore, #tpu.memory_space<semaphore_mem>>) src(%dma_wait3A_600 : memref<128xf32, #tpu.memory_space<any>>) dst(%dma_wait3A_598 : memref<128xf32, #tpu.memory_space<any>>)
    %dma_wait3A_601 = arith.constant 16000 : i32
    %dma_wait3A_602 = arith.constant 0 : i32
    %dma_wait3A_603 = tpu.memref_slice %arg2[%dma_wait3A_601, %dma_wait3A_602] : memref<100000x128xf32, #tpu.memory_space<any>> -> memref<1x128xf32, #tpu.memory_space<any>>
    %dma_wait3A_604 = tpu.memref_squeeze %dma_wait3A_603 : memref<1x128xf32, #tpu.memory_space<any>> -> memref<128xf32, #tpu.memory_space<any>>
    %dma_wait3A_605 = arith.constant 2048 : i32
    %dma_wait3A_606 = tpu.memref_slice %arg1[%dma_wait3A_605] : memref<8192xf32, #tpu.memory_space<any>> -> memref<128xf32, #tpu.memory_space<any>>
    tpu.wait_dma2 semaphore(%arg5 : memref<!tpu.dma_semaphore, #tpu.memory_space<semaphore_mem>>) src(%dma_wait3A_606 : memref<128xf32, #tpu.memory_space<any>>) dst(%dma_wait3A_604 : memref<128xf32, #tpu.memory_space<any>>)
    %dma_wait3A_607 = arith.constant 17000 : i32
    %dma_wait3A_608 = arith.constant 0 : i32
    %dma_wait3A_609 = tpu.memref_slice %arg2[%dma_wait3A_607, %dma_wait3A_608] : memref<100000x128xf32, #tpu.memory_space<any>> -> memref<1x128xf32, #tpu.memory_space<any>>
    %dma_wait3A_610 = tpu.memref_squeeze %dma_wait3A_609 : memref<1x128xf32, #tpu.memory_space<any>> -> memref<128xf32, #tpu.memory_space<any>>
    %dma_wait3A_611 = arith.constant 2176 : i32
    %dma_wait3A_612 = tpu.memref_slice %arg1[%dma_wait3A_611] : memref<8192xf32, #tpu.memory_space<any>> -> memref<128xf32, #tpu.memory_space<any>>
    tpu.wait_dma2 semaphore(%arg5 : memref<!tpu.dma_semaphore, #tpu.memory_space<semaphore_mem>>) src(%dma_wait3A_612 : memref<128xf32, #tpu.memory_space<any>>) dst(%dma_wait3A_610 : memref<128xf32, #tpu.memory_space<any>>)
    %dma_wait3A_613 = arith.constant 18000 : i32
    %dma_wait3A_614 = arith.constant 0 : i32
    %dma_wait3A_615 = tpu.memref_slice %arg2[%dma_wait3A_613, %dma_wait3A_614] : memref<100000x128xf32, #tpu.memory_space<any>> -> memref<1x128xf32, #tpu.memory_space<any>>
    %dma_wait3A_616 = tpu.memref_squeeze %dma_wait3A_615 : memref<1x128xf32, #tpu.memory_space<any>> -> memref<128xf32, #tpu.memory_space<any>>
    %dma_wait3A_617 = arith.constant 2304 : i32
    %dma_wait3A_618 = tpu.memref_slice %arg1[%dma_wait3A_617] : memref<8192xf32, #tpu.memory_space<any>> -> memref<128xf32, #tpu.memory_space<any>>
    tpu.wait_dma2 semaphore(%arg5 : memref<!tpu.dma_semaphore, #tpu.memory_space<semaphore_mem>>) src(%dma_wait3A_618 : memref<128xf32, #tpu.memory_space<any>>) dst(%dma_wait3A_616 : memref<128xf32, #tpu.memory_space<any>>)
    %dma_wait3A_619 = arith.constant 19000 : i32
    %dma_wait3A_620 = arith.constant 0 : i32
    %dma_wait3A_621 = tpu.memref_slice %arg2[%dma_wait3A_619, %dma_wait3A_620] : memref<100000x128xf32, #tpu.memory_space<any>> -> memref<1x128xf32, #tpu.memory_space<any>>
    %dma_wait3A_622 = tpu.memref_squeeze %dma_wait3A_621 : memref<1x128xf32, #tpu.memory_space<any>> -> memref<128xf32, #tpu.memory_space<any>>
    %dma_wait3A_623 = arith.constant 2432 : i32
    %dma_wait3A_624 = tpu.memref_slice %arg1[%dma_wait3A_623] : memref<8192xf32, #tpu.memory_space<any>> -> memref<128xf32, #tpu.memory_space<any>>
    tpu.wait_dma2 semaphore(%arg5 : memref<!tpu.dma_semaphore, #tpu.memory_space<semaphore_mem>>) src(%dma_wait3A_624 : memref<128xf32, #tpu.memory_space<any>>) dst(%dma_wait3A_622 : memref<128xf32, #tpu.memory_space<any>>)
    %dma_wait3A_625 = arith.constant 20000 : i32
    %dma_wait3A_626 = arith.constant 0 : i32
    %dma_wait3A_627 = tpu.memref_slice %arg2[%dma_wait3A_625, %dma_wait3A_626] : memref<100000x128xf32, #tpu.memory_space<any>> -> memref<1x128xf32, #tpu.memory_space<any>>
    %dma_wait3A_628 = tpu.memref_squeeze %dma_wait3A_627 : memref<1x128xf32, #tpu.memory_space<any>> -> memref<128xf32, #tpu.memory_space<any>>
    %dma_wait3A_629 = arith.constant 2560 : i32
    %dma_wait3A_630 = tpu.memref_slice %arg1[%dma_wait3A_629] : memref<8192xf32, #tpu.memory_space<any>> -> memref<128xf32, #tpu.memory_space<any>>
    tpu.wait_dma2 semaphore(%arg5 : memref<!tpu.dma_semaphore, #tpu.memory_space<semaphore_mem>>) src(%dma_wait3A_630 : memref<128xf32, #tpu.memory_space<any>>) dst(%dma_wait3A_628 : memref<128xf32, #tpu.memory_space<any>>)
    %dma_wait3A_631 = arith.constant 21000 : i32
    %dma_wait3A_632 = arith.constant 0 : i32
    %dma_wait3A_633 = tpu.memref_slice %arg2[%dma_wait3A_631, %dma_wait3A_632] : memref<100000x128xf32, #tpu.memory_space<any>> -> memref<1x128xf32, #tpu.memory_space<any>>
    %dma_wait3A_634 = tpu.memref_squeeze %dma_wait3A_633 : memref<1x128xf32, #tpu.memory_space<any>> -> memref<128xf32, #tpu.memory_space<any>>
    %dma_wait3A_635 = arith.constant 2688 : i32
    %dma_wait3A_636 = tpu.memref_slice %arg1[%dma_wait3A_635] : memref<8192xf32, #tpu.memory_space<any>> -> memref<128xf32, #tpu.memory_space<any>>
    tpu.wait_dma2 semaphore(%arg5 : memref<!tpu.dma_semaphore, #tpu.memory_space<semaphore_mem>>) src(%dma_wait3A_636 : memref<128xf32, #tpu.memory_space<any>>) dst(%dma_wait3A_634 : memref<128xf32, #tpu.memory_space<any>>)
    %dma_wait3A_637 = arith.constant 22000 : i32
    %dma_wait3A_638 = arith.constant 0 : i32
    %dma_wait3A_639 = tpu.memref_slice %arg2[%dma_wait3A_637, %dma_wait3A_638] : memref<100000x128xf32, #tpu.memory_space<any>> -> memref<1x128xf32, #tpu.memory_space<any>>
    %dma_wait3A_640 = tpu.memref_squeeze %dma_wait3A_639 : memref<1x128xf32, #tpu.memory_space<any>> -> memref<128xf32, #tpu.memory_space<any>>
    %dma_wait3A_641 = arith.constant 2816 : i32
    %dma_wait3A_642 = tpu.memref_slice %arg1[%dma_wait3A_641] : memref<8192xf32, #tpu.memory_space<any>> -> memref<128xf32, #tpu.memory_space<any>>
    tpu.wait_dma2 semaphore(%arg5 : memref<!tpu.dma_semaphore, #tpu.memory_space<semaphore_mem>>) src(%dma_wait3A_642 : memref<128xf32, #tpu.memory_space<any>>) dst(%dma_wait3A_640 : memref<128xf32, #tpu.memory_space<any>>)
    %dma_wait3A_643 = arith.constant 23000 : i32
    %dma_wait3A_644 = arith.constant 0 : i32
    %dma_wait3A_645 = tpu.memref_slice %arg2[%dma_wait3A_643, %dma_wait3A_644] : memref<100000x128xf32, #tpu.memory_space<any>> -> memref<1x128xf32, #tpu.memory_space<any>>
    %dma_wait3A_646 = tpu.memref_squeeze %dma_wait3A_645 : memref<1x128xf32, #tpu.memory_space<any>> -> memref<128xf32, #tpu.memory_space<any>>
    %dma_wait3A_647 = arith.constant 2944 : i32
    %dma_wait3A_648 = tpu.memref_slice %arg1[%dma_wait3A_647] : memref<8192xf32, #tpu.memory_space<any>> -> memref<128xf32, #tpu.memory_space<any>>
    tpu.wait_dma2 semaphore(%arg5 : memref<!tpu.dma_semaphore, #tpu.memory_space<semaphore_mem>>) src(%dma_wait3A_648 : memref<128xf32, #tpu.memory_space<any>>) dst(%dma_wait3A_646 : memref<128xf32, #tpu.memory_space<any>>)
    %dma_wait3A_649 = arith.constant 24000 : i32
    %dma_wait3A_650 = arith.constant 0 : i32
    %dma_wait3A_651 = tpu.memref_slice %arg2[%dma_wait3A_649, %dma_wait3A_650] : memref<100000x128xf32, #tpu.memory_space<any>> -> memref<1x128xf32, #tpu.memory_space<any>>
    %dma_wait3A_652 = tpu.memref_squeeze %dma_wait3A_651 : memref<1x128xf32, #tpu.memory_space<any>> -> memref<128xf32, #tpu.memory_space<any>>
    %dma_wait3A_653 = arith.constant 3072 : i32
    %dma_wait3A_654 = tpu.memref_slice %arg1[%dma_wait3A_653] : memref<8192xf32, #tpu.memory_space<any>> -> memref<128xf32, #tpu.memory_space<any>>
    tpu.wait_dma2 semaphore(%arg5 : memref<!tpu.dma_semaphore, #tpu.memory_space<semaphore_mem>>) src(%dma_wait3A_654 : memref<128xf32, #tpu.memory_space<any>>) dst(%dma_wait3A_652 : memref<128xf32, #tpu.memory_space<any>>)
    %dma_wait3A_655 = arith.constant 25000 : i32
    %dma_wait3A_656 = arith.constant 0 : i32
    %dma_wait3A_657 = tpu.memref_slice %arg2[%dma_wait3A_655, %dma_wait3A_656] : memref<100000x128xf32, #tpu.memory_space<any>> -> memref<1x128xf32, #tpu.memory_space<any>>
    %dma_wait3A_658 = tpu.memref_squeeze %dma_wait3A_657 : memref<1x128xf32, #tpu.memory_space<any>> -> memref<128xf32, #tpu.memory_space<any>>
    %dma_wait3A_659 = arith.constant 3200 : i32
    %dma_wait3A_660 = tpu.memref_slice %arg1[%dma_wait3A_659] : memref<8192xf32, #tpu.memory_space<any>> -> memref<128xf32, #tpu.memory_space<any>>
    tpu.wait_dma2 semaphore(%arg5 : memref<!tpu.dma_semaphore, #tpu.memory_space<semaphore_mem>>) src(%dma_wait3A_660 : memref<128xf32, #tpu.memory_space<any>>) dst(%dma_wait3A_658 : memref<128xf32, #tpu.memory_space<any>>)
    %dma_wait3A_661 = arith.constant 26000 : i32
    %dma_wait3A_662 = arith.constant 0 : i32
    %dma_wait3A_663 = tpu.memref_slice %arg2[%dma_wait3A_661, %dma_wait3A_662] : memref<100000x128xf32, #tpu.memory_space<any>> -> memref<1x128xf32, #tpu.memory_space<any>>
    %dma_wait3A_664 = tpu.memref_squeeze %dma_wait3A_663 : memref<1x128xf32, #tpu.memory_space<any>> -> memref<128xf32, #tpu.memory_space<any>>
    %dma_wait3A_665 = arith.constant 3328 : i32
    %dma_wait3A_666 = tpu.memref_slice %arg1[%dma_wait3A_665] : memref<8192xf32, #tpu.memory_space<any>> -> memref<128xf32, #tpu.memory_space<any>>
    tpu.wait_dma2 semaphore(%arg5 : memref<!tpu.dma_semaphore, #tpu.memory_space<semaphore_mem>>) src(%dma_wait3A_666 : memref<128xf32, #tpu.memory_space<any>>) dst(%dma_wait3A_664 : memref<128xf32, #tpu.memory_space<any>>)
    %dma_wait3A_667 = arith.constant 27000 : i32
    %dma_wait3A_668 = arith.constant 0 : i32
    %dma_wait3A_669 = tpu.memref_slice %arg2[%dma_wait3A_667, %dma_wait3A_668] : memref<100000x128xf32, #tpu.memory_space<any>> -> memref<1x128xf32, #tpu.memory_space<any>>
    %dma_wait3A_670 = tpu.memref_squeeze %dma_wait3A_669 : memref<1x128xf32, #tpu.memory_space<any>> -> memref<128xf32, #tpu.memory_space<any>>
    %dma_wait3A_671 = arith.constant 3456 : i32
    %dma_wait3A_672 = tpu.memref_slice %arg1[%dma_wait3A_671] : memref<8192xf32, #tpu.memory_space<any>> -> memref<128xf32, #tpu.memory_space<any>>
    tpu.wait_dma2 semaphore(%arg5 : memref<!tpu.dma_semaphore, #tpu.memory_space<semaphore_mem>>) src(%dma_wait3A_672 : memref<128xf32, #tpu.memory_space<any>>) dst(%dma_wait3A_670 : memref<128xf32, #tpu.memory_space<any>>)
    %dma_wait3A_673 = arith.constant 28000 : i32
    %dma_wait3A_674 = arith.constant 0 : i32
    %dma_wait3A_675 = tpu.memref_slice %arg2[%dma_wait3A_673, %dma_wait3A_674] : memref<100000x128xf32, #tpu.memory_space<any>> -> memref<1x128xf32, #tpu.memory_space<any>>
    %dma_wait3A_676 = tpu.memref_squeeze %dma_wait3A_675 : memref<1x128xf32, #tpu.memory_space<any>> -> memref<128xf32, #tpu.memory_space<any>>
    %dma_wait3A_677 = arith.constant 3584 : i32
    %dma_wait3A_678 = tpu.memref_slice %arg1[%dma_wait3A_677] : memref<8192xf32, #tpu.memory_space<any>> -> memref<128xf32, #tpu.memory_space<any>>
    tpu.wait_dma2 semaphore(%arg5 : memref<!tpu.dma_semaphore, #tpu.memory_space<semaphore_mem>>) src(%dma_wait3A_678 : memref<128xf32, #tpu.memory_space<any>>) dst(%dma_wait3A_676 : memref<128xf32, #tpu.memory_space<any>>)
    %dma_wait3A_679 = arith.constant 29000 : i32
    %dma_wait3A_680 = arith.constant 0 : i32
    %dma_wait3A_681 = tpu.memref_slice %arg2[%dma_wait3A_679, %dma_wait3A_680] : memref<100000x128xf32, #tpu.memory_space<any>> -> memref<1x128xf32, #tpu.memory_space<any>>
    %dma_wait3A_682 = tpu.memref_squeeze %dma_wait3A_681 : memref<1x128xf32, #tpu.memory_space<any>> -> memref<128xf32, #tpu.memory_space<any>>
    %dma_wait3A_683 = arith.constant 3712 : i32
    %dma_wait3A_684 = tpu.memref_slice %arg1[%dma_wait3A_683] : memref<8192xf32, #tpu.memory_space<any>> -> memref<128xf32, #tpu.memory_space<any>>
    tpu.wait_dma2 semaphore(%arg5 : memref<!tpu.dma_semaphore, #tpu.memory_space<semaphore_mem>>) src(%dma_wait3A_684 : memref<128xf32, #tpu.memory_space<any>>) dst(%dma_wait3A_682 : memref<128xf32, #tpu.memory_space<any>>)
    %dma_wait3A_685 = arith.constant 30000 : i32
    %dma_wait3A_686 = arith.constant 0 : i32
    %dma_wait3A_687 = tpu.memref_slice %arg2[%dma_wait3A_685, %dma_wait3A_686] : memref<100000x128xf32, #tpu.memory_space<any>> -> memref<1x128xf32, #tpu.memory_space<any>>
    %dma_wait3A_688 = tpu.memref_squeeze %dma_wait3A_687 : memref<1x128xf32, #tpu.memory_space<any>> -> memref<128xf32, #tpu.memory_space<any>>
    %dma_wait3A_689 = arith.constant 3840 : i32
    %dma_wait3A_690 = tpu.memref_slice %arg1[%dma_wait3A_689] : memref<8192xf32, #tpu.memory_space<any>> -> memref<128xf32, #tpu.memory_space<any>>
    tpu.wait_dma2 semaphore(%arg5 : memref<!tpu.dma_semaphore, #tpu.memory_space<semaphore_mem>>) src(%dma_wait3A_690 : memref<128xf32, #tpu.memory_space<any>>) dst(%dma_wait3A_688 : memref<128xf32, #tpu.memory_space<any>>)
    %dma_wait3A_691 = arith.constant 31000 : i32
    %dma_wait3A_692 = arith.constant 0 : i32
    %dma_wait3A_693 = tpu.memref_slice %arg2[%dma_wait3A_691, %dma_wait3A_692] : memref<100000x128xf32, #tpu.memory_space<any>> -> memref<1x128xf32, #tpu.memory_space<any>>
    %dma_wait3A_694 = tpu.memref_squeeze %dma_wait3A_693 : memref<1x128xf32, #tpu.memory_space<any>> -> memref<128xf32, #tpu.memory_space<any>>
    %dma_wait3A_695 = arith.constant 3968 : i32
    %dma_wait3A_696 = tpu.memref_slice %arg1[%dma_wait3A_695] : memref<8192xf32, #tpu.memory_space<any>> -> memref<128xf32, #tpu.memory_space<any>>
    tpu.wait_dma2 semaphore(%arg5 : memref<!tpu.dma_semaphore, #tpu.memory_space<semaphore_mem>>) src(%dma_wait3A_696 : memref<128xf32, #tpu.memory_space<any>>) dst(%dma_wait3A_694 : memref<128xf32, #tpu.memory_space<any>>)
    %dma_wait3A_697 = arith.constant 32000 : i32
    %dma_wait3A_698 = arith.constant 0 : i32
    %dma_wait3A_699 = tpu.memref_slice %arg2[%dma_wait3A_697, %dma_wait3A_698] : memref<100000x128xf32, #tpu.memory_space<any>> -> memref<1x128xf32, #tpu.memory_space<any>>
    %dma_wait3A_700 = tpu.memref_squeeze %dma_wait3A_699 : memref<1x128xf32, #tpu.memory_space<any>> -> memref<128xf32, #tpu.memory_space<any>>
    %dma_wait3A_701 = arith.constant 4096 : i32
    %dma_wait3A_702 = tpu.memref_slice %arg1[%dma_wait3A_701] : memref<8192xf32, #tpu.memory_space<any>> -> memref<128xf32, #tpu.memory_space<any>>
    tpu.wait_dma2 semaphore(%arg5 : memref<!tpu.dma_semaphore, #tpu.memory_space<semaphore_mem>>) src(%dma_wait3A_702 : memref<128xf32, #tpu.memory_space<any>>) dst(%dma_wait3A_700 : memref<128xf32, #tpu.memory_space<any>>)
    %dma_wait3A_703 = arith.constant 33000 : i32
    %dma_wait3A_704 = arith.constant 0 : i32
    %dma_wait3A_705 = tpu.memref_slice %arg2[%dma_wait3A_703, %dma_wait3A_704] : memref<100000x128xf32, #tpu.memory_space<any>> -> memref<1x128xf32, #tpu.memory_space<any>>
    %dma_wait3A_706 = tpu.memref_squeeze %dma_wait3A_705 : memref<1x128xf32, #tpu.memory_space<any>> -> memref<128xf32, #tpu.memory_space<any>>
    %dma_wait3A_707 = arith.constant 4224 : i32
    %dma_wait3A_708 = tpu.memref_slice %arg1[%dma_wait3A_707] : memref<8192xf32, #tpu.memory_space<any>> -> memref<128xf32, #tpu.memory_space<any>>
    tpu.wait_dma2 semaphore(%arg5 : memref<!tpu.dma_semaphore, #tpu.memory_space<semaphore_mem>>) src(%dma_wait3A_708 : memref<128xf32, #tpu.memory_space<any>>) dst(%dma_wait3A_706 : memref<128xf32, #tpu.memory_space<any>>)
    %dma_wait3A_709 = arith.constant 34000 : i32
    %dma_wait3A_710 = arith.constant 0 : i32
    %dma_wait3A_711 = tpu.memref_slice %arg2[%dma_wait3A_709, %dma_wait3A_710] : memref<100000x128xf32, #tpu.memory_space<any>> -> memref<1x128xf32, #tpu.memory_space<any>>
    %dma_wait3A_712 = tpu.memref_squeeze %dma_wait3A_711 : memref<1x128xf32, #tpu.memory_space<any>> -> memref<128xf32, #tpu.memory_space<any>>
    %dma_wait3A_713 = arith.constant 4352 : i32
    %dma_wait3A_714 = tpu.memref_slice %arg1[%dma_wait3A_713] : memref<8192xf32, #tpu.memory_space<any>> -> memref<128xf32, #tpu.memory_space<any>>
    tpu.wait_dma2 semaphore(%arg5 : memref<!tpu.dma_semaphore, #tpu.memory_space<semaphore_mem>>) src(%dma_wait3A_714 : memref<128xf32, #tpu.memory_space<any>>) dst(%dma_wait3A_712 : memref<128xf32, #tpu.memory_space<any>>)
    %dma_wait3A_715 = arith.constant 35000 : i32
    %dma_wait3A_716 = arith.constant 0 : i32
    %dma_wait3A_717 = tpu.memref_slice %arg2[%dma_wait3A_715, %dma_wait3A_716] : memref<100000x128xf32, #tpu.memory_space<any>> -> memref<1x128xf32, #tpu.memory_space<any>>
    %dma_wait3A_718 = tpu.memref_squeeze %dma_wait3A_717 : memref<1x128xf32, #tpu.memory_space<any>> -> memref<128xf32, #tpu.memory_space<any>>
    %dma_wait3A_719 = arith.constant 4480 : i32
    %dma_wait3A_720 = tpu.memref_slice %arg1[%dma_wait3A_719] : memref<8192xf32, #tpu.memory_space<any>> -> memref<128xf32, #tpu.memory_space<any>>
    tpu.wait_dma2 semaphore(%arg5 : memref<!tpu.dma_semaphore, #tpu.memory_space<semaphore_mem>>) src(%dma_wait3A_720 : memref<128xf32, #tpu.memory_space<any>>) dst(%dma_wait3A_718 : memref<128xf32, #tpu.memory_space<any>>)
    %dma_wait3A_721 = arith.constant 36000 : i32
    %dma_wait3A_722 = arith.constant 0 : i32
    %dma_wait3A_723 = tpu.memref_slice %arg2[%dma_wait3A_721, %dma_wait3A_722] : memref<100000x128xf32, #tpu.memory_space<any>> -> memref<1x128xf32, #tpu.memory_space<any>>
    %dma_wait3A_724 = tpu.memref_squeeze %dma_wait3A_723 : memref<1x128xf32, #tpu.memory_space<any>> -> memref<128xf32, #tpu.memory_space<any>>
    %dma_wait3A_725 = arith.constant 4608 : i32
    %dma_wait3A_726 = tpu.memref_slice %arg1[%dma_wait3A_725] : memref<8192xf32, #tpu.memory_space<any>> -> memref<128xf32, #tpu.memory_space<any>>
    tpu.wait_dma2 semaphore(%arg5 : memref<!tpu.dma_semaphore, #tpu.memory_space<semaphore_mem>>) src(%dma_wait3A_726 : memref<128xf32, #tpu.memory_space<any>>) dst(%dma_wait3A_724 : memref<128xf32, #tpu.memory_space<any>>)
    %dma_wait3A_727 = arith.constant 37000 : i32
    %dma_wait3A_728 = arith.constant 0 : i32
    %dma_wait3A_729 = tpu.memref_slice %arg2[%dma_wait3A_727, %dma_wait3A_728] : memref<100000x128xf32, #tpu.memory_space<any>> -> memref<1x128xf32, #tpu.memory_space<any>>
    %dma_wait3A_730 = tpu.memref_squeeze %dma_wait3A_729 : memref<1x128xf32, #tpu.memory_space<any>> -> memref<128xf32, #tpu.memory_space<any>>
    %dma_wait3A_731 = arith.constant 4736 : i32
    %dma_wait3A_732 = tpu.memref_slice %arg1[%dma_wait3A_731] : memref<8192xf32, #tpu.memory_space<any>> -> memref<128xf32, #tpu.memory_space<any>>
    tpu.wait_dma2 semaphore(%arg5 : memref<!tpu.dma_semaphore, #tpu.memory_space<semaphore_mem>>) src(%dma_wait3A_732 : memref<128xf32, #tpu.memory_space<any>>) dst(%dma_wait3A_730 : memref<128xf32, #tpu.memory_space<any>>)
    %dma_wait3A_733 = arith.constant 38000 : i32
    %dma_wait3A_734 = arith.constant 0 : i32
    %dma_wait3A_735 = tpu.memref_slice %arg2[%dma_wait3A_733, %dma_wait3A_734] : memref<100000x128xf32, #tpu.memory_space<any>> -> memref<1x128xf32, #tpu.memory_space<any>>
    %dma_wait3A_736 = tpu.memref_squeeze %dma_wait3A_735 : memref<1x128xf32, #tpu.memory_space<any>> -> memref<128xf32, #tpu.memory_space<any>>
    %dma_wait3A_737 = arith.constant 4864 : i32
    %dma_wait3A_738 = tpu.memref_slice %arg1[%dma_wait3A_737] : memref<8192xf32, #tpu.memory_space<any>> -> memref<128xf32, #tpu.memory_space<any>>
    tpu.wait_dma2 semaphore(%arg5 : memref<!tpu.dma_semaphore, #tpu.memory_space<semaphore_mem>>) src(%dma_wait3A_738 : memref<128xf32, #tpu.memory_space<any>>) dst(%dma_wait3A_736 : memref<128xf32, #tpu.memory_space<any>>)
    %dma_wait3A_739 = arith.constant 39000 : i32
    %dma_wait3A_740 = arith.constant 0 : i32
    %dma_wait3A_741 = tpu.memref_slice %arg2[%dma_wait3A_739, %dma_wait3A_740] : memref<100000x128xf32, #tpu.memory_space<any>> -> memref<1x128xf32, #tpu.memory_space<any>>
    %dma_wait3A_742 = tpu.memref_squeeze %dma_wait3A_741 : memref<1x128xf32, #tpu.memory_space<any>> -> memref<128xf32, #tpu.memory_space<any>>
    %dma_wait3A_743 = arith.constant 4992 : i32
    %dma_wait3A_744 = tpu.memref_slice %arg1[%dma_wait3A_743] : memref<8192xf32, #tpu.memory_space<any>> -> memref<128xf32, #tpu.memory_space<any>>
    tpu.wait_dma2 semaphore(%arg5 : memref<!tpu.dma_semaphore, #tpu.memory_space<semaphore_mem>>) src(%dma_wait3A_744 : memref<128xf32, #tpu.memory_space<any>>) dst(%dma_wait3A_742 : memref<128xf32, #tpu.memory_space<any>>)
    %dma_wait3A_745 = arith.constant 40000 : i32
    %dma_wait3A_746 = arith.constant 0 : i32
    %dma_wait3A_747 = tpu.memref_slice %arg2[%dma_wait3A_745, %dma_wait3A_746] : memref<100000x128xf32, #tpu.memory_space<any>> -> memref<1x128xf32, #tpu.memory_space<any>>
    %dma_wait3A_748 = tpu.memref_squeeze %dma_wait3A_747 : memref<1x128xf32, #tpu.memory_space<any>> -> memref<128xf32, #tpu.memory_space<any>>
    %dma_wait3A_749 = arith.constant 5120 : i32
    %dma_wait3A_750 = tpu.memref_slice %arg1[%dma_wait3A_749] : memref<8192xf32, #tpu.memory_space<any>> -> memref<128xf32, #tpu.memory_space<any>>
    tpu.wait_dma2 semaphore(%arg5 : memref<!tpu.dma_semaphore, #tpu.memory_space<semaphore_mem>>) src(%dma_wait3A_750 : memref<128xf32, #tpu.memory_space<any>>) dst(%dma_wait3A_748 : memref<128xf32, #tpu.memory_space<any>>)
    %dma_wait3A_751 = arith.constant 41000 : i32
    %dma_wait3A_752 = arith.constant 0 : i32
    %dma_wait3A_753 = tpu.memref_slice %arg2[%dma_wait3A_751, %dma_wait3A_752] : memref<100000x128xf32, #tpu.memory_space<any>> -> memref<1x128xf32, #tpu.memory_space<any>>
    %dma_wait3A_754 = tpu.memref_squeeze %dma_wait3A_753 : memref<1x128xf32, #tpu.memory_space<any>> -> memref<128xf32, #tpu.memory_space<any>>
    %dma_wait3A_755 = arith.constant 5248 : i32
    %dma_wait3A_756 = tpu.memref_slice %arg1[%dma_wait3A_755] : memref<8192xf32, #tpu.memory_space<any>> -> memref<128xf32, #tpu.memory_space<any>>
    tpu.wait_dma2 semaphore(%arg5 : memref<!tpu.dma_semaphore, #tpu.memory_space<semaphore_mem>>) src(%dma_wait3A_756 : memref<128xf32, #tpu.memory_space<any>>) dst(%dma_wait3A_754 : memref<128xf32, #tpu.memory_space<any>>)
    %dma_wait3A_757 = arith.constant 42000 : i32
    %dma_wait3A_758 = arith.constant 0 : i32
    %dma_wait3A_759 = tpu.memref_slice %arg2[%dma_wait3A_757, %dma_wait3A_758] : memref<100000x128xf32, #tpu.memory_space<any>> -> memref<1x128xf32, #tpu.memory_space<any>>
    %dma_wait3A_760 = tpu.memref_squeeze %dma_wait3A_759 : memref<1x128xf32, #tpu.memory_space<any>> -> memref<128xf32, #tpu.memory_space<any>>
    %dma_wait3A_761 = arith.constant 5376 : i32
    %dma_wait3A_762 = tpu.memref_slice %arg1[%dma_wait3A_761] : memref<8192xf32, #tpu.memory_space<any>> -> memref<128xf32, #tpu.memory_space<any>>
    tpu.wait_dma2 semaphore(%arg5 : memref<!tpu.dma_semaphore, #tpu.memory_space<semaphore_mem>>) src(%dma_wait3A_762 : memref<128xf32, #tpu.memory_space<any>>) dst(%dma_wait3A_760 : memref<128xf32, #tpu.memory_space<any>>)
    %dma_wait3A_763 = arith.constant 43000 : i32
    %dma_wait3A_764 = arith.constant 0 : i32
    %dma_wait3A_765 = tpu.memref_slice %arg2[%dma_wait3A_763, %dma_wait3A_764] : memref<100000x128xf32, #tpu.memory_space<any>> -> memref<1x128xf32, #tpu.memory_space<any>>
    %dma_wait3A_766 = tpu.memref_squeeze %dma_wait3A_765 : memref<1x128xf32, #tpu.memory_space<any>> -> memref<128xf32, #tpu.memory_space<any>>
    %dma_wait3A_767 = arith.constant 5504 : i32
    %dma_wait3A_768 = tpu.memref_slice %arg1[%dma_wait3A_767] : memref<8192xf32, #tpu.memory_space<any>> -> memref<128xf32, #tpu.memory_space<any>>
    tpu.wait_dma2 semaphore(%arg5 : memref<!tpu.dma_semaphore, #tpu.memory_space<semaphore_mem>>) src(%dma_wait3A_768 : memref<128xf32, #tpu.memory_space<any>>) dst(%dma_wait3A_766 : memref<128xf32, #tpu.memory_space<any>>)
    %dma_wait3A_769 = arith.constant 44000 : i32
    %dma_wait3A_770 = arith.constant 0 : i32
    %dma_wait3A_771 = tpu.memref_slice %arg2[%dma_wait3A_769, %dma_wait3A_770] : memref<100000x128xf32, #tpu.memory_space<any>> -> memref<1x128xf32, #tpu.memory_space<any>>
    %dma_wait3A_772 = tpu.memref_squeeze %dma_wait3A_771 : memref<1x128xf32, #tpu.memory_space<any>> -> memref<128xf32, #tpu.memory_space<any>>
    %dma_wait3A_773 = arith.constant 5632 : i32
    %dma_wait3A_774 = tpu.memref_slice %arg1[%dma_wait3A_773] : memref<8192xf32, #tpu.memory_space<any>> -> memref<128xf32, #tpu.memory_space<any>>
    tpu.wait_dma2 semaphore(%arg5 : memref<!tpu.dma_semaphore, #tpu.memory_space<semaphore_mem>>) src(%dma_wait3A_774 : memref<128xf32, #tpu.memory_space<any>>) dst(%dma_wait3A_772 : memref<128xf32, #tpu.memory_space<any>>)
    %dma_wait3A_775 = arith.constant 45000 : i32
    %dma_wait3A_776 = arith.constant 0 : i32
    %dma_wait3A_777 = tpu.memref_slice %arg2[%dma_wait3A_775, %dma_wait3A_776] : memref<100000x128xf32, #tpu.memory_space<any>> -> memref<1x128xf32, #tpu.memory_space<any>>
    %dma_wait3A_778 = tpu.memref_squeeze %dma_wait3A_777 : memref<1x128xf32, #tpu.memory_space<any>> -> memref<128xf32, #tpu.memory_space<any>>
    %dma_wait3A_779 = arith.constant 5760 : i32
    %dma_wait3A_780 = tpu.memref_slice %arg1[%dma_wait3A_779] : memref<8192xf32, #tpu.memory_space<any>> -> memref<128xf32, #tpu.memory_space<any>>
    tpu.wait_dma2 semaphore(%arg5 : memref<!tpu.dma_semaphore, #tpu.memory_space<semaphore_mem>>) src(%dma_wait3A_780 : memref<128xf32, #tpu.memory_space<any>>) dst(%dma_wait3A_778 : memref<128xf32, #tpu.memory_space<any>>)
    %dma_wait3A_781 = arith.constant 46000 : i32
    %dma_wait3A_782 = arith.constant 0 : i32
    %dma_wait3A_783 = tpu.memref_slice %arg2[%dma_wait3A_781, %dma_wait3A_782] : memref<100000x128xf32, #tpu.memory_space<any>> -> memref<1x128xf32, #tpu.memory_space<any>>
    %dma_wait3A_784 = tpu.memref_squeeze %dma_wait3A_783 : memref<1x128xf32, #tpu.memory_space<any>> -> memref<128xf32, #tpu.memory_space<any>>
    %dma_wait3A_785 = arith.constant 5888 : i32
    %dma_wait3A_786 = tpu.memref_slice %arg1[%dma_wait3A_785] : memref<8192xf32, #tpu.memory_space<any>> -> memref<128xf32, #tpu.memory_space<any>>
    tpu.wait_dma2 semaphore(%arg5 : memref<!tpu.dma_semaphore, #tpu.memory_space<semaphore_mem>>) src(%dma_wait3A_786 : memref<128xf32, #tpu.memory_space<any>>) dst(%dma_wait3A_784 : memref<128xf32, #tpu.memory_space<any>>)
    %dma_wait3A_787 = arith.constant 47000 : i32
    %dma_wait3A_788 = arith.constant 0 : i32
    %dma_wait3A_789 = tpu.memref_slice %arg2[%dma_wait3A_787, %dma_wait3A_788] : memref<100000x128xf32, #tpu.memory_space<any>> -> memref<1x128xf32, #tpu.memory_space<any>>
    %dma_wait3A_790 = tpu.memref_squeeze %dma_wait3A_789 : memref<1x128xf32, #tpu.memory_space<any>> -> memref<128xf32, #tpu.memory_space<any>>
    %dma_wait3A_791 = arith.constant 6016 : i32
    %dma_wait3A_792 = tpu.memref_slice %arg1[%dma_wait3A_791] : memref<8192xf32, #tpu.memory_space<any>> -> memref<128xf32, #tpu.memory_space<any>>
    tpu.wait_dma2 semaphore(%arg5 : memref<!tpu.dma_semaphore, #tpu.memory_space<semaphore_mem>>) src(%dma_wait3A_792 : memref<128xf32, #tpu.memory_space<any>>) dst(%dma_wait3A_790 : memref<128xf32, #tpu.memory_space<any>>)
    %dma_wait3A_793 = arith.constant 48000 : i32
    %dma_wait3A_794 = arith.constant 0 : i32
    %dma_wait3A_795 = tpu.memref_slice %arg2[%dma_wait3A_793, %dma_wait3A_794] : memref<100000x128xf32, #tpu.memory_space<any>> -> memref<1x128xf32, #tpu.memory_space<any>>
    %dma_wait3A_796 = tpu.memref_squeeze %dma_wait3A_795 : memref<1x128xf32, #tpu.memory_space<any>> -> memref<128xf32, #tpu.memory_space<any>>
    %dma_wait3A_797 = arith.constant 6144 : i32
    %dma_wait3A_798 = tpu.memref_slice %arg1[%dma_wait3A_797] : memref<8192xf32, #tpu.memory_space<any>> -> memref<128xf32, #tpu.memory_space<any>>
    tpu.wait_dma2 semaphore(%arg5 : memref<!tpu.dma_semaphore, #tpu.memory_space<semaphore_mem>>) src(%dma_wait3A_798 : memref<128xf32, #tpu.memory_space<any>>) dst(%dma_wait3A_796 : memref<128xf32, #tpu.memory_space<any>>)
    %dma_wait3A_799 = arith.constant 49000 : i32
    %dma_wait3A_800 = arith.constant 0 : i32
    %dma_wait3A_801 = tpu.memref_slice %arg2[%dma_wait3A_799, %dma_wait3A_800] : memref<100000x128xf32, #tpu.memory_space<any>> -> memref<1x128xf32, #tpu.memory_space<any>>
    %dma_wait3A_802 = tpu.memref_squeeze %dma_wait3A_801 : memref<1x128xf32, #tpu.memory_space<any>> -> memref<128xf32, #tpu.memory_space<any>>
    %dma_wait3A_803 = arith.constant 6272 : i32
    %dma_wait3A_804 = tpu.memref_slice %arg1[%dma_wait3A_803] : memref<8192xf32, #tpu.memory_space<any>> -> memref<128xf32, #tpu.memory_space<any>>
    tpu.wait_dma2 semaphore(%arg5 : memref<!tpu.dma_semaphore, #tpu.memory_space<semaphore_mem>>) src(%dma_wait3A_804 : memref<128xf32, #tpu.memory_space<any>>) dst(%dma_wait3A_802 : memref<128xf32, #tpu.memory_space<any>>)
    %dma_wait3A_805 = arith.constant 50000 : i32
    %dma_wait3A_806 = arith.constant 0 : i32
    %dma_wait3A_807 = tpu.memref_slice %arg2[%dma_wait3A_805, %dma_wait3A_806] : memref<100000x128xf32, #tpu.memory_space<any>> -> memref<1x128xf32, #tpu.memory_space<any>>
    %dma_wait3A_808 = tpu.memref_squeeze %dma_wait3A_807 : memref<1x128xf32, #tpu.memory_space<any>> -> memref<128xf32, #tpu.memory_space<any>>
    %dma_wait3A_809 = arith.constant 6400 : i32
    %dma_wait3A_810 = tpu.memref_slice %arg1[%dma_wait3A_809] : memref<8192xf32, #tpu.memory_space<any>> -> memref<128xf32, #tpu.memory_space<any>>
    tpu.wait_dma2 semaphore(%arg5 : memref<!tpu.dma_semaphore, #tpu.memory_space<semaphore_mem>>) src(%dma_wait3A_810 : memref<128xf32, #tpu.memory_space<any>>) dst(%dma_wait3A_808 : memref<128xf32, #tpu.memory_space<any>>)
    %dma_wait3A_811 = arith.constant 51000 : i32
    %dma_wait3A_812 = arith.constant 0 : i32
    %dma_wait3A_813 = tpu.memref_slice %arg2[%dma_wait3A_811, %dma_wait3A_812] : memref<100000x128xf32, #tpu.memory_space<any>> -> memref<1x128xf32, #tpu.memory_space<any>>
    %dma_wait3A_814 = tpu.memref_squeeze %dma_wait3A_813 : memref<1x128xf32, #tpu.memory_space<any>> -> memref<128xf32, #tpu.memory_space<any>>
    %dma_wait3A_815 = arith.constant 6528 : i32
    %dma_wait3A_816 = tpu.memref_slice %arg1[%dma_wait3A_815] : memref<8192xf32, #tpu.memory_space<any>> -> memref<128xf32, #tpu.memory_space<any>>
    tpu.wait_dma2 semaphore(%arg5 : memref<!tpu.dma_semaphore, #tpu.memory_space<semaphore_mem>>) src(%dma_wait3A_816 : memref<128xf32, #tpu.memory_space<any>>) dst(%dma_wait3A_814 : memref<128xf32, #tpu.memory_space<any>>)
    %dma_wait3A_817 = arith.constant 52000 : i32
    %dma_wait3A_818 = arith.constant 0 : i32
    %dma_wait3A_819 = tpu.memref_slice %arg2[%dma_wait3A_817, %dma_wait3A_818] : memref<100000x128xf32, #tpu.memory_space<any>> -> memref<1x128xf32, #tpu.memory_space<any>>
    %dma_wait3A_820 = tpu.memref_squeeze %dma_wait3A_819 : memref<1x128xf32, #tpu.memory_space<any>> -> memref<128xf32, #tpu.memory_space<any>>
    %dma_wait3A_821 = arith.constant 6656 : i32
    %dma_wait3A_822 = tpu.memref_slice %arg1[%dma_wait3A_821] : memref<8192xf32, #tpu.memory_space<any>> -> memref<128xf32, #tpu.memory_space<any>>
    tpu.wait_dma2 semaphore(%arg5 : memref<!tpu.dma_semaphore, #tpu.memory_space<semaphore_mem>>) src(%dma_wait3A_822 : memref<128xf32, #tpu.memory_space<any>>) dst(%dma_wait3A_820 : memref<128xf32, #tpu.memory_space<any>>)
    %dma_wait3A_823 = arith.constant 53000 : i32
    %dma_wait3A_824 = arith.constant 0 : i32
    %dma_wait3A_825 = tpu.memref_slice %arg2[%dma_wait3A_823, %dma_wait3A_824] : memref<100000x128xf32, #tpu.memory_space<any>> -> memref<1x128xf32, #tpu.memory_space<any>>
    %dma_wait3A_826 = tpu.memref_squeeze %dma_wait3A_825 : memref<1x128xf32, #tpu.memory_space<any>> -> memref<128xf32, #tpu.memory_space<any>>
    %dma_wait3A_827 = arith.constant 6784 : i32
    %dma_wait3A_828 = tpu.memref_slice %arg1[%dma_wait3A_827] : memref<8192xf32, #tpu.memory_space<any>> -> memref<128xf32, #tpu.memory_space<any>>
    tpu.wait_dma2 semaphore(%arg5 : memref<!tpu.dma_semaphore, #tpu.memory_space<semaphore_mem>>) src(%dma_wait3A_828 : memref<128xf32, #tpu.memory_space<any>>) dst(%dma_wait3A_826 : memref<128xf32, #tpu.memory_space<any>>)
    %dma_wait3A_829 = arith.constant 54000 : i32
    %dma_wait3A_830 = arith.constant 0 : i32
    %dma_wait3A_831 = tpu.memref_slice %arg2[%dma_wait3A_829, %dma_wait3A_830] : memref<100000x128xf32, #tpu.memory_space<any>> -> memref<1x128xf32, #tpu.memory_space<any>>
    %dma_wait3A_832 = tpu.memref_squeeze %dma_wait3A_831 : memref<1x128xf32, #tpu.memory_space<any>> -> memref<128xf32, #tpu.memory_space<any>>
    %dma_wait3A_833 = arith.constant 6912 : i32
    %dma_wait3A_834 = tpu.memref_slice %arg1[%dma_wait3A_833] : memref<8192xf32, #tpu.memory_space<any>> -> memref<128xf32, #tpu.memory_space<any>>
    tpu.wait_dma2 semaphore(%arg5 : memref<!tpu.dma_semaphore, #tpu.memory_space<semaphore_mem>>) src(%dma_wait3A_834 : memref<128xf32, #tpu.memory_space<any>>) dst(%dma_wait3A_832 : memref<128xf32, #tpu.memory_space<any>>)
    %dma_wait3A_835 = arith.constant 55000 : i32
    %dma_wait3A_836 = arith.constant 0 : i32
    %dma_wait3A_837 = tpu.memref_slice %arg2[%dma_wait3A_835, %dma_wait3A_836] : memref<100000x128xf32, #tpu.memory_space<any>> -> memref<1x128xf32, #tpu.memory_space<any>>
    %dma_wait3A_838 = tpu.memref_squeeze %dma_wait3A_837 : memref<1x128xf32, #tpu.memory_space<any>> -> memref<128xf32, #tpu.memory_space<any>>
    %dma_wait3A_839 = arith.constant 7040 : i32
    %dma_wait3A_840 = tpu.memref_slice %arg1[%dma_wait3A_839] : memref<8192xf32, #tpu.memory_space<any>> -> memref<128xf32, #tpu.memory_space<any>>
    tpu.wait_dma2 semaphore(%arg5 : memref<!tpu.dma_semaphore, #tpu.memory_space<semaphore_mem>>) src(%dma_wait3A_840 : memref<128xf32, #tpu.memory_space<any>>) dst(%dma_wait3A_838 : memref<128xf32, #tpu.memory_space<any>>)
    %dma_wait3A_841 = arith.constant 56000 : i32
    %dma_wait3A_842 = arith.constant 0 : i32
    %dma_wait3A_843 = tpu.memref_slice %arg2[%dma_wait3A_841, %dma_wait3A_842] : memref<100000x128xf32, #tpu.memory_space<any>> -> memref<1x128xf32, #tpu.memory_space<any>>
    %dma_wait3A_844 = tpu.memref_squeeze %dma_wait3A_843 : memref<1x128xf32, #tpu.memory_space<any>> -> memref<128xf32, #tpu.memory_space<any>>
    %dma_wait3A_845 = arith.constant 7168 : i32
    %dma_wait3A_846 = tpu.memref_slice %arg1[%dma_wait3A_845] : memref<8192xf32, #tpu.memory_space<any>> -> memref<128xf32, #tpu.memory_space<any>>
    tpu.wait_dma2 semaphore(%arg5 : memref<!tpu.dma_semaphore, #tpu.memory_space<semaphore_mem>>) src(%dma_wait3A_846 : memref<128xf32, #tpu.memory_space<any>>) dst(%dma_wait3A_844 : memref<128xf32, #tpu.memory_space<any>>)
    %dma_wait3A_847 = arith.constant 57000 : i32
    %dma_wait3A_848 = arith.constant 0 : i32
    %dma_wait3A_849 = tpu.memref_slice %arg2[%dma_wait3A_847, %dma_wait3A_848] : memref<100000x128xf32, #tpu.memory_space<any>> -> memref<1x128xf32, #tpu.memory_space<any>>
    %dma_wait3A_850 = tpu.memref_squeeze %dma_wait3A_849 : memref<1x128xf32, #tpu.memory_space<any>> -> memref<128xf32, #tpu.memory_space<any>>
    %dma_wait3A_851 = arith.constant 7296 : i32
    %dma_wait3A_852 = tpu.memref_slice %arg1[%dma_wait3A_851] : memref<8192xf32, #tpu.memory_space<any>> -> memref<128xf32, #tpu.memory_space<any>>
    tpu.wait_dma2 semaphore(%arg5 : memref<!tpu.dma_semaphore, #tpu.memory_space<semaphore_mem>>) src(%dma_wait3A_852 : memref<128xf32, #tpu.memory_space<any>>) dst(%dma_wait3A_850 : memref<128xf32, #tpu.memory_space<any>>)
    %dma_wait3A_853 = arith.constant 58000 : i32
    %dma_wait3A_854 = arith.constant 0 : i32
    %dma_wait3A_855 = tpu.memref_slice %arg2[%dma_wait3A_853, %dma_wait3A_854] : memref<100000x128xf32, #tpu.memory_space<any>> -> memref<1x128xf32, #tpu.memory_space<any>>
    %dma_wait3A_856 = tpu.memref_squeeze %dma_wait3A_855 : memref<1x128xf32, #tpu.memory_space<any>> -> memref<128xf32, #tpu.memory_space<any>>
    %dma_wait3A_857 = arith.constant 7424 : i32
    %dma_wait3A_858 = tpu.memref_slice %arg1[%dma_wait3A_857] : memref<8192xf32, #tpu.memory_space<any>> -> memref<128xf32, #tpu.memory_space<any>>
    tpu.wait_dma2 semaphore(%arg5 : memref<!tpu.dma_semaphore, #tpu.memory_space<semaphore_mem>>) src(%dma_wait3A_858 : memref<128xf32, #tpu.memory_space<any>>) dst(%dma_wait3A_856 : memref<128xf32, #tpu.memory_space<any>>)
    %dma_wait3A_859 = arith.constant 59000 : i32
    %dma_wait3A_860 = arith.constant 0 : i32
    %dma_wait3A_861 = tpu.memref_slice %arg2[%dma_wait3A_859, %dma_wait3A_860] : memref<100000x128xf32, #tpu.memory_space<any>> -> memref<1x128xf32, #tpu.memory_space<any>>
    %dma_wait3A_862 = tpu.memref_squeeze %dma_wait3A_861 : memref<1x128xf32, #tpu.memory_space<any>> -> memref<128xf32, #tpu.memory_space<any>>
    %dma_wait3A_863 = arith.constant 7552 : i32
    %dma_wait3A_864 = tpu.memref_slice %arg1[%dma_wait3A_863] : memref<8192xf32, #tpu.memory_space<any>> -> memref<128xf32, #tpu.memory_space<any>>
    tpu.wait_dma2 semaphore(%arg5 : memref<!tpu.dma_semaphore, #tpu.memory_space<semaphore_mem>>) src(%dma_wait3A_864 : memref<128xf32, #tpu.memory_space<any>>) dst(%dma_wait3A_862 : memref<128xf32, #tpu.memory_space<any>>)
    %dma_wait3A_865 = arith.constant 60000 : i32
    %dma_wait3A_866 = arith.constant 0 : i32
    %dma_wait3A_867 = tpu.memref_slice %arg2[%dma_wait3A_865, %dma_wait3A_866] : memref<100000x128xf32, #tpu.memory_space<any>> -> memref<1x128xf32, #tpu.memory_space<any>>
    %dma_wait3A_868 = tpu.memref_squeeze %dma_wait3A_867 : memref<1x128xf32, #tpu.memory_space<any>> -> memref<128xf32, #tpu.memory_space<any>>
    %dma_wait3A_869 = arith.constant 7680 : i32
    %dma_wait3A_870 = tpu.memref_slice %arg1[%dma_wait3A_869] : memref<8192xf32, #tpu.memory_space<any>> -> memref<128xf32, #tpu.memory_space<any>>
    tpu.wait_dma2 semaphore(%arg5 : memref<!tpu.dma_semaphore, #tpu.memory_space<semaphore_mem>>) src(%dma_wait3A_870 : memref<128xf32, #tpu.memory_space<any>>) dst(%dma_wait3A_868 : memref<128xf32, #tpu.memory_space<any>>)
    %dma_wait3A_871 = arith.constant 61000 : i32
    %dma_wait3A_872 = arith.constant 0 : i32
    %dma_wait3A_873 = tpu.memref_slice %arg2[%dma_wait3A_871, %dma_wait3A_872] : memref<100000x128xf32, #tpu.memory_space<any>> -> memref<1x128xf32, #tpu.memory_space<any>>
    %dma_wait3A_874 = tpu.memref_squeeze %dma_wait3A_873 : memref<1x128xf32, #tpu.memory_space<any>> -> memref<128xf32, #tpu.memory_space<any>>
    %dma_wait3A_875 = arith.constant 7808 : i32
    %dma_wait3A_876 = tpu.memref_slice %arg1[%dma_wait3A_875] : memref<8192xf32, #tpu.memory_space<any>> -> memref<128xf32, #tpu.memory_space<any>>
    tpu.wait_dma2 semaphore(%arg5 : memref<!tpu.dma_semaphore, #tpu.memory_space<semaphore_mem>>) src(%dma_wait3A_876 : memref<128xf32, #tpu.memory_space<any>>) dst(%dma_wait3A_874 : memref<128xf32, #tpu.memory_space<any>>)
    %dma_wait3A_877 = arith.constant 62000 : i32
    %dma_wait3A_878 = arith.constant 0 : i32
    %dma_wait3A_879 = tpu.memref_slice %arg2[%dma_wait3A_877, %dma_wait3A_878] : memref<100000x128xf32, #tpu.memory_space<any>> -> memref<1x128xf32, #tpu.memory_space<any>>
    %dma_wait3A_880 = tpu.memref_squeeze %dma_wait3A_879 : memref<1x128xf32, #tpu.memory_space<any>> -> memref<128xf32, #tpu.memory_space<any>>
    %dma_wait3A_881 = arith.constant 7936 : i32
    %dma_wait3A_882 = tpu.memref_slice %arg1[%dma_wait3A_881] : memref<8192xf32, #tpu.memory_space<any>> -> memref<128xf32, #tpu.memory_space<any>>
    tpu.wait_dma2 semaphore(%arg5 : memref<!tpu.dma_semaphore, #tpu.memory_space<semaphore_mem>>) src(%dma_wait3A_882 : memref<128xf32, #tpu.memory_space<any>>) dst(%dma_wait3A_880 : memref<128xf32, #tpu.memory_space<any>>)
    %dma_wait3A_883 = arith.constant 63000 : i32
    %dma_wait3A_884 = arith.constant 0 : i32
    %dma_wait3A_885 = tpu.memref_slice %arg2[%dma_wait3A_883, %dma_wait3A_884] : memref<100000x128xf32, #tpu.memory_space<any>> -> memref<1x128xf32, #tpu.memory_space<any>>
    %dma_wait3A_886 = tpu.memref_squeeze %dma_wait3A_885 : memref<1x128xf32, #tpu.memory_space<any>> -> memref<128xf32, #tpu.memory_space<any>>
    %dma_wait3A_887 = arith.constant 8064 : i32
    %dma_wait3A_888 = tpu.memref_slice %arg1[%dma_wait3A_887] : memref<8192xf32, #tpu.memory_space<any>> -> memref<128xf32, #tpu.memory_space<any>>
    tpu.wait_dma2 semaphore(%arg5 : memref<!tpu.dma_semaphore, #tpu.memory_space<semaphore_mem>>) src(%dma_wait3A_888 : memref<128xf32, #tpu.memory_space<any>>) dst(%dma_wait3A_886 : memref<128xf32, #tpu.memory_space<any>>)
    return
  }
}

</mosaic_0001>

<sc_bundles>
// kernel: kernel.4.cloned.1.call-start
scs
__scs_entry_jumppad:
0x0: {  	(pc) =	sbr.rel $0x88, $3  }
0x1: {  	(tag) =	ssettag $0x0;
	lr =	simm.s32 $0x1  }
0x2: {  	[smem:$0x3FA0] =	sst lr;
	_ =	strace $0xD0000000  }
0x3: {  	_ = 	snop  }
0x4: {  	_ = 	snop  }
0x5: {  	_ = 	snop  }
0x6: {  	_ = 	snop  }
0x7: {  	_ = 	snop  }
__scs_overlays_trampoline_lowered:
0x8: {  	[smem:$0x3FAF] =	sst s0  }
0x9: {  	[smem:$0x3FB0] =	sst s1  }
0xa: {  	[smem:$0x3FB1] =	sst s2  }
0xb: {  	[smem:$0x3FB2] =	sst s3  }
0xc: {  	[smem:$0x3FB3] =	sst s4  }
0xd: {  	[smem:$0x3FB4] =	sst s5  }
0xe: {  	[smem:$0x3FB5] =	sst s6  }
0xf: {  	[smem:$0x3FB6] =	sst s7  }
0x10: {  	[smem:$0x3FB7] =	sst s8  }
0x11: {  	[smem:$0x3FB8] =	sst s9;
	s0 =	simm.s32 @!p0 $0x0  }
0x12: {  	s1 =	sld [smem:$0x3F9E];
	s0 =	simm.s32 @p0 $0x1  }
0x13: {  	[smem:$0x3FB9] =	sst s0;
	s0 =	simm.s32 @!p1 $0x0  }
0x14: {  	s2 =	sld [smem:$0x3F9D];
	s0 =	simm.s32 @p1 $0x1  }
0x15: {  	[smem:$0x3FBA] =	sst s0;
	s0 =	simm.s32 @!p2 $0x0  }
0x16: {  	s3 =	sld [smem:$0x3FDB];
	s0 =	simm.s32 @p2 $0x1  }
0x17: {  	s4 =	simm.s32 $0x1BF5;
	[smem:$0x3FBC] =	sst s0  }
0x18: {  	s0 =	sld [smem:$0x3F9F];
	_ =	swait.ge [sflag:s4], $0x0  }
0x19: {  	s7 =	sld [smem:$0x3FA0]  }
0x1a: {  	s8 =	sadd.s32 $0xFFFFE003, lr  }
0x1b: {  	s9 =	sadd.s32 $0xFFFFFEF7, lr;
	s5 =	simm.s32 $0xFFFFFFFF;
	p2 =	slt.u32 s8, $0xFFFFF086  }
0x1c: {  	p1 =	slt.u32 s9, $0xF7A;
	s5 =	simm.s32 @!p2 $0x0  }
0x1d: {  	s5 =	simm.s32 @p1 $0x1;
	p0 =	seq.s32 s7, s2  }
0x1e: {  	s7 =	smul.u32 @!p0 $0xF7A, s2;
	p2 =	seq.s32 @!p0 s5, $0x0  }
0x1f: {  	s9 =	smul.u32 $0xF7A, s1;
	s8 =	simm.s32 @!p0 $0x1BF5;
	p2 =	por !p2, p0  }
0x20: {  	[sflag:s8] =	ssyncset.s32 @!p0 $0xFFFFF086;
	s6 =	sadd.s32 @!p0 s3, s7;
	s7 =	simm.s32 @!p0 $0x108  }
0x21: {  	s3 =	sadd.s32 s3, s9;
	s6 =	sadd.s32 @!p0 $0x88, s6;
	s7 =	simm.s32 @p2 $0x1082  }
0x22: {  	[simem:s7], [sflag:s8] =	dma.local @!p0 [hbm:s6], $0xF7A  }
0x23: {  	s9 =	sor.u32 $0xD0000000, s2;
	s6 =	simm.s32 $0x108;
	_ =	swait.ge @!p0 [sflag:s8], $0x0  }
0x24: {  	s3 =	sadd.s32 $0x88, s3;
	s6 =	simm.s32 @!p1 $0x1082;
	[sflag:s4] =	ssyncset.s32 $0xFFFFF086  }
0x25: {  	[simem:s6], [sflag:s4] =	dma.local [hbm:s3], $0xF7A  }
0x26: {  	[smem:$0x3FA0] =	sst s1;
	(tag) =	ssettag s2;
	_ =	strace s9  }
0x27: {  	s1 =	sld [smem:$0x3FB0]  }
0x28: {  	s2 =	sld [smem:$0x3FB1]  }
0x29: {  	s4 =	sld [smem:$0x3FB3]  }
0x2a: {  	p0 =	seq.s32 s5, $0x0;
	s5 =	sld [smem:$0x3FB4]  }
0x2b: {  	s6 =	sld [smem:$0x3FB5]  }
0x2c: {  	s7 =	sld [smem:$0x3FB6]  }
0x2d: {  	s3 =	simm.s32 $0x108;
	s8 =	sld [smem:$0x3FB7]  }
0x2e: {  	s3 =	simm.s32 @!p0 $0x1082;
	s9 =	sld [smem:$0x3FB8]  }
0x2f: {  	lr =	sadd.s32 s0, s3;
	s0 =	sld [smem:$0x3FAF]  }
0x30: {  	s3 =	sld [smem:$0x3FB2]  }
0x31: {  	[smem:$0x3FBB] =	sst s10  }
0x32: {  	s10 =	sld [smem:$0x3FB9];
	_ =	sdelay $0x3  }
0x33: {  	p0 =	seq.s32 s10, $0x1;
	s10 =	sld [smem:$0x3FBB];
	_ =	sdelay $0x3  }
0x34: {  	[smem:$0x3FBB] =	sst s10  }
0x35: {  	s10 =	sld [smem:$0x3FBA];
	_ =	sdelay $0x3  }
0x36: {  	p1 =	seq.s32 s10, $0x1;
	s10 =	sld [smem:$0x3FBB];
	_ =	sdelay $0x3  }
0x37: {  	[smem:$0x3FBB] =	sst s10  }
0x38: {  	s10 =	sld [smem:$0x3FBC]  }
0x39: {  	_ = 	snop;
	(pc) =	sbr.ind lr, $3  }
0x3a: {  	_ = 	snop  }
0x3b: {  	_ = 	snop  }
0x3c: {  	p2 =	seq.s32 s10, $0x1;
	s10 =	sld [smem:$0x3FBB]  }
0x3d: {  	_ =	shalt  }
0x3e: {  	_ =	shalt  }
0x3f: {  	_ =	shalt  }
0x40: {  	_ =	shalt  }
0x41: {  	_ =	shalt  }
0x42: {  	_ =	shalt  }
0x43: {  	_ =	shalt  }
0x44: {  	_ =	shalt  }
0x45: {  	_ =	shalt  }
0x46: {  	_ =	shalt  }
0x47: {  	_ =	shalt  }
0x48: {  	_ =	shalt  }
0x49: {  	_ =	shalt  }
0x4a: {  	_ =	shalt  }
0x4b: {  	_ =	shalt  }
0x4c: {  	_ =	shalt  }
0x4d: {  	_ =	shalt  }
0x4e: {  	_ =	shalt  }
0x4f: {  	_ =	shalt  }
0x50: {  	_ =	shalt  }
0x51: {  	_ =	shalt  }
0x52: {  	_ =	shalt  }
0x53: {  	_ =	shalt  }
0x54: {  	_ =	shalt  }
0x55: {  	_ =	shalt  }
0x56: {  	_ =	shalt  }
0x57: {  	_ =	shalt  }
0x58: {  	_ =	shalt  }
0x59: {  	_ =	shalt  }
0x5a: {  	_ =	shalt  }
0x5b: {  	_ =	shalt  }
0x5c: {  	_ =	shalt  }
0x5d: {  	_ =	shalt  }
0x5e: {  	_ =	shalt  }
0x5f: {  	_ =	shalt  }
0x60: {  	_ =	shalt  }
0x61: {  	_ =	shalt  }
0x62: {  	_ =	shalt  }
0x63: {  	_ =	shalt  }
0x64: {  	_ =	shalt  }
0x65: {  	_ =	shalt  }
0x66: {  	_ =	shalt  }
0x67: {  	_ =	shalt  }
0x68: {  	_ =	shalt  }
0x69: {  	_ =	shalt  }
0x6a: {  	_ =	shalt  }
0x6b: {  	_ =	shalt  }
0x6c: {  	_ =	shalt  }
0x6d: {  	_ =	shalt  }
0x6e: {  	_ =	shalt  }
0x6f: {  	_ =	shalt  }
0x70: {  	_ =	shalt  }
0x71: {  	_ =	shalt  }
0x72: {  	_ =	shalt  }
0x73: {  	_ =	shalt  }
0x74: {  	_ =	shalt  }
0x75: {  	_ =	shalt  }
0x76: {  	_ =	shalt  }
0x77: {  	_ =	shalt  }
0x78: {  	_ =	shalt  }
0x79: {  	_ =	shalt  }
0x7a: {  	_ =	shalt  }
0x7b: {  	_ =	shalt  }
0x7c: {  	_ =	shalt  }
0x7d: {  	_ =	shalt  }
0x7e: {  	_ =	shalt  }
0x7f: {  	_ =	shalt  }
0x80: {  	_ =	shalt  }
0x81: {  	_ =	shalt  }
0x82: {  	_ =	shalt  }
0x83: {  	_ =	shalt  }
0x84: {  	_ =	shalt  }
0x85: {  	_ =	shalt  }
0x86: {  	_ =	shalt  }
0x87: {  	_ =	shalt  }
.Lfunc_end0:
.L_simem_size_0:
called_computation_lowered:
.L_overlay_start_0:
0x88: {  	s2 =	sld [smem:$0x3FD9]  }
0x89: {  	s3 =	sld [smem:$0x3FFE];
	_ =	sdelay $0x1  }
0x8a: {  	s1 =	srdreg.scid  }
0x8b: {  	s0 =	sand.u32 $0x1, s1  }
0x8c: {  	s18 =	sshll.u32 s0, $0xA;
	s2 =	sadd.s32 s3, s2  }
0x8d: {  	s2 =	sadd.s32 s2, s18  }
0x8e: {  	[smem:$0x3FC7] =	sst s2  }
0x8f: {  	_ = 	snop  }
0x90: {  	s2 =	sld [smem:$0x3FC9]  }
0x91: {  	s19 =	sld [smem:$0x3FD0];
	(tm) =	ssettm $0x1  }
0x92: {  	s4 =	sld [smem:$0x3FFB];
	_ =	sdelay $0x3  }
0x93: {  	_ =	strace s4  }
0x94: {  	s4 =	sld [smem:$0x3FFC];
	_ =	sdelay $0x3  }
0x95: {  	_ =	strace s4  }
0x96: {  	s4 =	sld [smem:$0x3FFD];
	_ =	sdelay $0x3  }
0x97: {  	_ =	strace s4  }
0x98: {  	_ =	strace $0x8FFFFFFF  }
0x99: {  	s20 =	sld [smem:$0x3FDB];
	_ =	sdelay $0x1  }
0x9a: {  	s5 =	simm.s32 $_scs_section_size  }
0x9b: {  	s6 =	simm.s32 $_size__tile_overlayer_lowered;
	s7 =	simm.s32 $_tile_overlayer_lowered  }
0x9c: {  	s23 =	simm.s32 $0x1BFF;
	s22 =	sshll.u32 s7, $0x1;
	s4 =	sadd.s32 s5, s20  }
0x9d: {  	s8 =	simm.s32 $0x0;
	s21 =	sshll.u32 s6, $0x1;
	s6 =	sadd.s32 s22, s4  }
0x9e: {  	[timem:s8], [sflag:s23] =	dma.local [hbm:s6], s21  }
0x9f: {  	_ =	swait.ge [sflag:s23], s21  }
0xa0: {  	s5 =	ssub.s32 $0x0, s21;
	[sflag:s23] =	ssyncset.done $0x0  }
0xa1: {  	[sflag:s23] =	ssyncadd.s32 s5;
	_ =	sdelay $0x1  }
0xa2: {  	s24 =	simm.s32 $0x1B8B  }
0xa3: {  	_ =	swait.ge [sflag:s24], $0x1  }
0xa4: {  	[sflag:s24] =	ssyncset.done $0x0  }
0xa5: {  	s25 =	simm.s32 $0x1B8E;
	[sflag:s24] =	ssyncadd.s32 $0xFFFFFFFF  }
0xa6: {  	s26 =	simm.s32 $execute0_lowered;
	[smem:$0x3FD2] =	sst s25  }
0xa7: {  	s5 =	sshll.u32 s26, $0x1;
	_ =	strace $0x80000046;
	[dreg:$0x1] =	wrdreg $0xFFFFFFFF  }
0xa8: {  	s28 =	simm.s32 $_size_execute0_lowered;
	s4 =	sadd.s32 s4, s5;
	[dreg:$0x0] =	wrdreg $0x0  }
0xa9: {  	s5 =	sshll.u32 s28, $0x1;
	[dreg:$0x2] =	wrdreg s4  }
0xaa: {  	[dreg:$0x3] =	wrdreg s5  }
0xab: {  	[dreg:$0x4] =	wrdreg $0xC0  }
0xac: {  	_ =	task [dreg:s8], $0x5FFFF  }
0xad: {  	[dreg:$0x1] =	wrdreg $0xFFFFFFFF  }
0xae: {  	[dreg:$0x0] =	wrdreg $0x60  }
0xaf: {  	[dreg:$0x2] =	wrdreg s2  }
0xb0: {  	[dreg:$0x3] =	wrdreg s19  }
0xb1: {  	[dreg:$0x4] =	wrdreg $0x9  }
0xb2: {  	_ =	task.clear_ibuf [dreg:s8], $0x5FFFF;
	_ =	strace $0x90000046  }
0xb3: {  	s29 =	simm.s32 $0x9;
	_ =	strace $0x80000048  }
0xb4: {  	_ =	swait.ge [sflag:s29], $0x1  }
0xb5: {  	[sflag:s29] =	ssyncadd.s32 $0xFFFFFFFF  }
0xb6: {  	_ =	strace $0x90000048  }
0xb7: {  	_ =	sfence  }
0xb8: {  	s30 =	sld [smem:$0x0];
	_ =	sdelay $0x2  }
0xb9: {  	s31 =	sshll.u32 s1, $0xD;
	s1 =	sshrl.u32 s1, $0x2  }
0xba: {  	s3 =	sand.u32 $0x4000, s31;
	s1 =	sadd.s32 s1, s30  }
0xbb: {  	s0 =	sor.u32 s3, s0;
	s1 =	sshll.u32 s1, $0x11  }
0xbc: {  	s0 =	sor.u32 s1, s0  }
0xbd: {  	s0 =	sadd.s32 $0x8F2B, s0  }
0xbe: {  	[sflag:s0] =	ssyncadd.remote.s32 $0x1  }
0xbf: {  	_ =	sfence.sel $0xFFFF  }
0xc0: {  	[dreg:$0x0] =	wrdreg $0xFFFFFFFF;
	(pc) =	sbr.abs _section_cstart, $3  }
0xc1: {  	[dreg:$0x1] =	wrdreg $0xFFFFFFFF  }
0xc2: {  	_ =	task.clear_ibuf [dreg:s8], $0x2FFFF;
	_ =	strace $0x9FFFFFFF  }
0xc3: {  	(tm) =	ssettm $0x7FFFFFFF  }
tec
execute0_lowered:
.L_overlay_start_1:
0x0: {  	(tag) =	ssettag $0x1  }
0x1: {  	s0 =	srdreg.scid  }
0x2: {  	s6 =	sand.u32 $0x1, s0  }
0x3: {  	s7 =	rddreg [dreg:$0x0];
	s0 =	stileid.u32;
	s1 =	sshll.u32 s6, $0x4  }
0x4: {  	s8 =	rddreg [dreg:$0x1];
	s2 =	simm.s32 $0x0;
	s9 =	sor.u32 s0, s1  }
0x5: {  	[smem:$0x7FF] =	sst s2;
	s3 =	smul.u32 $0x7D00, s9  }
0x6: {  	s1 =	rddreg [dreg:$0x2]  }
0x7: {  	_ =	strace $0x80000047;
	s4 =	sadd.s32 s7, s3;
	s3 =	simm.s32 $0x1  }
0x8: {  	[tilespmem:s2], [sflag:$0x1] =	stream.linear.gather [hbm4b:s4+s2], $0x80, $0x38;
	[tilespmem:$0x80] =	vst v63  }
0x9: {  	_ =	swait.ge [sflag:s3], $0x80  }
0xa: {  	s11 =	ssub.s32 $0x2, s6;
	s5 =	sshll.u32 s9, $0x5;
	[sflag:s3] =	ssyncset.done $0x0  }
0xb: {  	s9 =	sshllo.u32 s9, $0x1;
	s5 =	sadd.s32 s8, s5;
	[sflag:s3] =	ssyncadd.s32 $0xFFFFFF80  }
0xc: {  	[hbm4b:s5+s2] =	stream.linear.scatter [tilespmem:s2], [sflag:$0x1], $0x80, $0x38;
	[tilespmem:$0x80] =	vst v63  }
0xd: {  	s28 =	sshrl.u32 s11, $0x1;
	s10 =	smul.u32 $0x3E80, s9;
	_ =	swait.ge [sflag:s3], $0x80  }
0xe: {  	s29 =	ssub.s32 s11, s28;
	[sflag:s3] =	ssyncset.done $0x0  }
0xf: {  	s31 =	smax.u32 s29, $0x1;
	s6 =	sadd.s32 s7, s10;
	[sflag:s3] =	ssyncadd.s32 $0xFFFFFF80  }
0x10: {  	[tilespmem:s2], [sflag:$0x1] =	stream.linear.gather [hbm4b:s6+s2], $0x80, $0x38;
	[tilespmem:$0x80] =	vst v63  }
0x11: {  	p0 =	sne.s32 s31, $0x1;
	_ =	swait.ge [sflag:s3], $0x80  }
.Ltmp0:
0x12: {  	s30 =	sshll.u32 s9, $0x4;
	[sflag:s3] =	ssyncset.done $0x0;
	(pc) =	sbr.rel @!p0 .LBB2_2-.Ltmp0, $4  }
0x13: {  	s7 =	sadd.s32 s8, s30;
	[sflag:s3] =	ssyncadd.s32 $0xFFFFFF80  }
0x14: {  	[hbm4b:s7+s2] =	stream.linear.scatter [tilespmem:s2], [sflag:$0x1], $0x80, $0x38;
	[tilespmem:$0x80] =	vst v63  }
0x15: {  	_ =	swait.ge [sflag:s3], $0x80  }
0x16: {  	s8 =	sadd.s32 $0xFFFFFFFF, s31;
	[sflag:s3] =	ssyncset.done $0x0  }
.LBB2_1:
0x17: {  	p0 =	sne.s32 s8, $0x1;
	s8 =	sadd.s32 $0xFFFFFFFF, s8;
	[sflag:s3] =	ssyncadd.s32 $0xFFFFFF80  }
0x18: {  	[tilespmem:s2], [sflag:$0x1] =	stream.linear.gather [hbm4b:s4+s2], $0x80, $0x38;
	[tilespmem:$0x80] =	vst v63  }
0x19: {  	_ =	swait.ge [sflag:s3], $0x80  }
0x1a: {  	[sflag:s3] =	ssyncset.done $0x0  }
0x1b: {  	[sflag:s3] =	ssyncadd.s32 $0xFFFFFF80  }
0x1c: {  	[hbm4b:s5+s2] =	stream.linear.scatter [tilespmem:s2], [sflag:$0x1], $0x80, $0x38;
	[tilespmem:$0x80] =	vst v63  }
0x1d: {  	_ =	swait.ge [sflag:s3], $0x80  }
0x1e: {  	[sflag:s3] =	ssyncset.done $0x0  }
0x1f: {  	[sflag:s3] =	ssyncadd.s32 $0xFFFFFF80  }
0x20: {  	[tilespmem:s2], [sflag:$0x1] =	stream.linear.gather [hbm4b:s6+s2], $0x80, $0x38;
	[tilespmem:$0x80] =	vst v63  }
0x21: {  	_ =	swait.ge [sflag:s3], $0x80  }
.Ltmp1:
0x22: {  	[sflag:s3] =	ssyncset.done $0x0;
	(pc) =	sbr.rel @p0 .LBB2_1-.Ltmp1, $4  }
0x23: {  	[sflag:s3] =	ssyncadd.s32 $0xFFFFFF80  }
0x24: {  	[hbm4b:s7+s2] =	stream.linear.scatter [tilespmem:s2], [sflag:$0x1], $0x80, $0x38;
	[tilespmem:$0x80] =	vst v63  }
0x25: {  	_ =	swait.ge [sflag:s3], $0x80  }
0x26: {  	[sflag:s3] =	ssyncset.done $0x0  }
.LBB2_2:
0x27: {  	[sflag:s3] =	ssyncadd.s32 $0xFFFFFF80  }
0x28: {  	_ =	sfence.sel $0x180000  }
0x29: {  	[bflag:$0x0] =	sbarrier.arrive $0xFFFF  }
0x2a: {  	p0 =	sne.s32 s0, $0x0;
	_ =	strace $0x90000047  }
0x2b: {  	s0 =	sadd.s32 @!p0 $0x100000, s1;
	[bflag:$0x2] =	sbarrier.arrive $0xFFFF  }
0x2c: {  	[sflag:s0] =	ssyncadd.tile.s32 @!p0 $0x1;
	_ =	shalt  }
.Lfunc_end2:
_tile_overlayer_lowered:
.L_overlay_start_2:
0x2d: {  	(tag) =	ssettag $0x2  }
0x2e: {  	s0 =	rddreg [dreg:$0x0];
	s2 =	stileid.u32  }
0x2f: {  	s1 =	rddreg [dreg:$0x1];
	p0 =	sne.s32 s2, $0x0  }
0x30: {  	s3 =	rddreg [dreg:$0x2];
	[bflag:$0x3] =	sbarrier.arrive $0xFFFF;
	s2 =	simm.s32 @!p0 $0x1C01  }
0x31: {  	[timem:s3], [sflag:s2] =	dma.local @!p0 [hbm:s0], s1  }
0x32: {  	s0 =	simm.s32 @!p0 $0x1  }
0x33: {  	_ =	swait.ge @!p0 [sflag:s0], s1  }
0x34: {  	s1 =	ssub.s32 @!p0 $0x0, s1;
	[sflag:s0] =	ssyncset.done @!p0 $0x0  }
0x35: {  	[sflag:s0] =	ssyncadd.s32 @!p0 s1  }
0x36: {  	[bflag:$0x3] =	sbarrier.arrive $0xFFFF  }
0x37: {  	_ =	shalt  }

</sc_bundles>
